<compile_context>
chip_gen: v7x
topology: tpu7x:2x2x1
jax: 0.10.2.dev20260603
libtpu: 0.0.44.dev20260713+nightly
codegen_flags: <defaults>
</compile_context>

<pallas_src>
import functools

import jax
import jax.numpy as jnp
from jax import lax
from jax.experimental import pallas as pl
from jax.experimental.pallas import tpu as pltpu
from jax.experimental.pallas import tpu_sc as plsc

_FIELD_DIM = 100000
_F = 26
_D = 32
_B = 16384
_N = _B * _F
_V = _FIELD_DIM * _F
_NC = 2
_NS = 16
_NW = _NC * _NS
_L = 16

_TW = 8192
_S = _TW // 4
_SLOG = _S.bit_length() - 1
_NBLK = (_V + _TW - 1) // _TW
_VP = _NBLK * _TW


def _repack_body(t_ref, o_ref):
    blk = t_ref[...]
    for q in range(4):
        o_ref[:, 32 * q:32 * (q + 1)] = blk[:, _S * q:_S * (q + 1)].T


def _repack(table_t):
    return pl.pallas_call(
        _repack_body,
        grid=(_NBLK,),
        in_specs=[pl.BlockSpec((_D, _TW), lambda j: (0, j))],
        out_specs=pl.BlockSpec((_TW // 4, 128), lambda j: (j, 0)),
        out_shape=jax.ShapeDtypeStruct((_VP * _D // 128, 128), jnp.float32),
    )(table_t)


_NU = _F * (_B // 128)
_UPW = _NU // _NW


def _sc_body(xt_hbm, tab_hbm, out_hbm,
             idx0, idx1, rows0, rows1, t0, t1,
             si0, si1, sg0, sg1, so0, so1):
    wid = lax.axis_index("s") * _NC + lax.axis_index("c")
    u0 = wid * _UPW
    ulast = u0 + _UPW - 1
    lanes = lax.iota(jnp.int32, _L)

    idx_b = (idx0, idx1)
    rows_b = (rows0, rows1)
    t_b = (t0, t1)
    si_b = (si0, si1)
    sg_b = (sg0, sg1)
    so_b = (so0, so1)

    def xoff(u):
        return pl.multiple_of(((u >> 7) << 14) + ((u & 127) << 7), 128)

    def start_idx(u, p):
        pltpu.make_async_copy(
            xt_hbm.at[pl.ds(xoff(u), 128)], idx_b[p], si_b[p]).start()

    def wait_idx(p):
        pltpu.make_async_copy(
            xt_hbm.at[pl.ds(0, 128)], idx_b[p], si_b[p]).wait()

    def remap(u, p):
        off = (u >> 7) * _FIELD_DIM
        ib = idx_b[p]
        for g in range(8):
            sl = pl.ds(_L * g, _L)
            v = ib[sl] + off
            ib[sl] = ((v & ~(_TW - 1)) + ((v & (_S - 1)) << 2)) + (
                (v & (_TW - 1)) >> _SLOG)

    def start_gather(p):
        pltpu.make_async_copy(tab_hbm.at[idx_b[p]], rows_b[p], sg_b[p]).start()

    def wait_gather(p):
        pltpu.make_async_copy(
            tab_hbm.at[pl.ds(0, 128)], rows_b[p], sg_b[p]).wait()

    def transpose(p):
        rb, tb = rows_b[p], t_b[p]

        def dstep(d, _):
            dsp = jnp.broadcast_to(d, (_L,))
            base = pl.multiple_of(d * 128, 128)
            for g in range(8):
                vals = plsc.load_gather(rb, [lanes + _L * g, dsp])
                tb[pl.ds(base + _L * g, _L)] = vals
            return 0

        lax.fori_loop(0, _D, dstep, 0)

    def start_outs(u, p):
        f = u >> 7
        q = u & 127
        for t in range(4):
            word0 = pl.multiple_of((((f * 4 + t) * 128) + q) * 1024, 1024)
            pltpu.make_async_copy(
                t_b[p].at[pl.ds(1024 * t, 1024)],
                out_hbm.at[pl.ds(word0, 1024)], so_b[p]).start()

    def wait_outs(p):
        for t in range(4):
            pltpu.make_async_copy(
                out_hbm.at[pl.ds(1024 * t, 1024)],
                t_b[p].at[pl.ds(1024 * t, 1024)], so_b[p]).wait()

    start_idx(u0, 0)
    start_idx(u0 + 1, 1)
    wait_idx(0)
    remap(u0, 0)
    start_gather(0)

    def half(u, p):
        @pl.when(u < ulast)
        def _():
            wait_idx(1 - p)
            remap(u + 1, 1 - p)
            start_gather(1 - p)

        wait_gather(p)

        @pl.when(u + 2 <= ulast)
        def _():
            start_idx(u + 2, p)

        @pl.when(u >= u0 + 2)
        def _():
            wait_outs(p)

        transpose(p)
        start_outs(u, p)

    def step(k, _):
        u = u0 + 2 * k
        half(u, 0)
        half(u + 1, 1)
        return 0

    lax.fori_loop(0, _UPW // 2, step, 0)
    wait_outs(0)
    wait_outs(1)


_sc_call = functools.partial(
    pl.kernel,
    out_type=jax.ShapeDtypeStruct((_N * _D,), jnp.float32),
    scratch_types=[
        pltpu.VMEM((128,), jnp.int32),
        pltpu.VMEM((128,), jnp.int32),
        pltpu.VMEM((128, _D), jnp.float32),
        pltpu.VMEM((128, _D), jnp.float32),
        pltpu.VMEM((4096,), jnp.float32),
        pltpu.VMEM((4096,), jnp.float32),
        pltpu.SemaphoreType.DMA,
        pltpu.SemaphoreType.DMA,
        pltpu.SemaphoreType.DMA,
        pltpu.SemaphoreType.DMA,
        pltpu.SemaphoreType.DMA,
        pltpu.SemaphoreType.DMA,
    ],
    mesh=plsc.VectorSubcoreMesh(core_axis_name="c", subcore_axis_name="s"),
    compiler_params=pltpu.CompilerParams(
        use_tc_tiling_on_sc=False, needs_layout_passes=False),
)(_sc_body)


def kernel(x, table):
    packed = _repack(table.T)
    tab_rm = packed.reshape(_VP * _D).reshape(_VP, _D)
    xt = x.T.reshape(_N)
    flat = _sc_call(xt, tab_rm)
    o5 = flat.reshape(_F, 4, 128, 8, 128)
    return o5.transpose(2, 4, 0, 1, 3).reshape(_B, _F, _D)

# --- scband reference (transcript-rebuilt; emitter-appended) ---
"""Pipeline reference for scband-fused-embedding-58231166599662 (READ-ONLY COPY).

The authoritative reference and input builder live on the scoring server;
editing this copy changes nothing except your own understanding.
"""

import jax, jax.numpy as jnp
import numpy as np

FIELD_DIMS = [100000] * 26
EMBED_DIM = 32
BATCH = 16384


def setup_inputs(seed: int = 0) -> dict:
    key = jax.random.key(seed)
    k1, k2 = jax.random.split(key)
    x = jax.random.randint(k1, (BATCH, len(FIELD_DIMS)), 0, FIELD_DIMS[0], dtype=jnp.int32)
    table = jax.random.normal(k2, (int(sum(FIELD_DIMS)), EMBED_DIM), dtype=jnp.float32) * 0.01
    return {"x": x, "table": table}


def reference(x, table):
    # offsets per field: cumulative start index of each field's sub-table
    offsets = jnp.asarray(np.concatenate([[0], np.cumsum(FIELD_DIMS)[:-1]]), dtype=jnp.int32)
    idx = x.astype(jnp.int32) + offsets[None, :]  # [B, F]
    out = jnp.take(table, idx, axis=0)  # [B, F, D] gather
    return out

if __name__ == "__main__":
    import jax
    _d = setup_inputs()
    print(jax.jit(kernel)(*tuple(_d.values())))

</pallas_src>

<mosaic_0001>
#map = affine_map<(d0, d1) -> (0)>
#map1 = affine_map<(d0, d1) -> (0, 0)>
module attributes {stable_mosaic.version = 14 : i64} {
  func.func @_sc_body(%arg0: i32, %arg1: i32, %arg2: memref<425984xi32, #tpu.memory_space<hbm>>, %arg3: memref<2605056x32xf32, #tpu.memory_space<hbm>>, %arg4: memref<13631488xf32, #tpu.memory_space<hbm>>, %arg5: memref<128xi32, #tpu.memory_space<vmem>>, %arg6: memref<128xi32, #tpu.memory_space<vmem>>, %arg7: memref<128x32xf32, #tpu.memory_space<vmem>>, %arg8: memref<128x32xf32, #tpu.memory_space<vmem>>, %arg9: memref<4096xf32, #tpu.memory_space<vmem>>, %arg10: memref<4096xf32, #tpu.memory_space<vmem>>, %arg11: memref<!tpu.dma_semaphore, #tpu.memory_space<semaphore_mem>>, %arg12: memref<!tpu.dma_semaphore, #tpu.memory_space<semaphore_mem>>, %arg13: memref<!tpu.dma_semaphore, #tpu.memory_space<semaphore_mem>>, %arg14: memref<!tpu.dma_semaphore, #tpu.memory_space<semaphore_mem>>, %arg15: memref<!tpu.dma_semaphore, #tpu.memory_space<semaphore_mem>>, %arg16: memref<!tpu.dma_semaphore, #tpu.memory_space<semaphore_mem>>) attributes {dimension_semantics = [#tpu.dimension_semantics<core_parallel>, #tpu.dimension_semantics<subcore_parallel>], iteration_bounds = array<i64: 2, 16>, scalar_prefetch = 0 : i64, scratch_operands = 12 : i64, tpu.core_type = #tpu.core_type<sc_vector_subcore>, window_params = [{transform_indices = #map}, {transform_indices = #map1}, {transform_indices = #map}]} {
    %mul3A = arith.constant 2 : i32
    %mul3A_0 = arith.muli %arg1, %mul3A : i32
    %add3A = arith.addi %mul3A_0, %arg0 : i32
    %mul3A_1 = arith.constant 104 : i32
    %mul3A_2 = arith.muli %add3A, %mul3A_1 : i32
    %add3A_3 = arith.constant 104 : i32
    %add3A_4 = arith.addi %mul3A_2, %add3A_3 : i32
    %sub3A = arith.constant 1 : i32
    %sub3A_5 = arith.subi %add3A_4, %sub3A : i32
    %iota3A = tpu.iota {dimensions = array<i32: 0>} : vector<16xi32>
    %shift_right_arithmetic3A = arith.constant 7 : i32
    %shift_right_arithmetic3A_6 = arith.shrsi %mul3A_2, %shift_right_arithmetic3A : i32
    %shift_left3A = arith.constant 14 : i32
    %shift_left3A_7 = arith.shli %shift_right_arithmetic3A_6, %shift_left3A : i32
    %and3A = arith.constant 127 : i32
    %and3A_8 = arith.andi %mul3A_2, %and3A : i32
    %shift_left3A_9 = arith.constant 7 : i32
    %shift_left3A_10 = arith.shli %and3A_8, %shift_left3A_9 : i32
    %add3A_11 = arith.addi %shift_left3A_7, %shift_left3A_10 : i32
    %multiple_of3A = tpu.assume_multiple %add3A_11, 128 : i32
    %dma_start3A = tpu.memref_slice %arg2[%multiple_of3A] : memref<425984xi32, #tpu.memory_space<hbm>> -> memref<128xi32, #tpu.memory_space<hbm>>
    %dma_start3A_12 = tpu.memref_slice %arg2[%multiple_of3A] : memref<425984xi32, #tpu.memory_space<hbm>> -> memref<128xi32, #tpu.memory_space<hbm>>
    tpu.enqueue_dma source(%dma_start3A_12 : memref<128xi32, #tpu.memory_space<hbm>>) target(%arg5 : memref<128xi32, #tpu.memory_space<vmem>>) target_semaphore(%arg11 : memref<!tpu.dma_semaphore, #tpu.memory_space<semaphore_mem>>)
    %add3A_13 = arith.constant 1 : i32
    %add3A_14 = arith.addi %mul3A_2, %add3A_13 : i32
    %shift_right_arithmetic3A_15 = arith.constant 7 : i32
    %shift_right_arithmetic3A_16 = arith.shrsi %add3A_14, %shift_right_arithmetic3A_15 : i32
    %shift_left3A_17 = arith.constant 14 : i32
    %shift_left3A_18 = arith.shli %shift_right_arithmetic3A_16, %shift_left3A_17 : i32
    %and3A_19 = arith.constant 127 : i32
    %and3A_20 = arith.andi %add3A_14, %and3A_19 : i32
    %shift_left3A_21 = arith.constant 7 : i32
    %shift_left3A_22 = arith.shli %and3A_20, %shift_left3A_21 : i32
    %add3A_23 = arith.addi %shift_left3A_18, %shift_left3A_22 : i32
    %multiple_of3A_24 = tpu.assume_multiple %add3A_23, 128 : i32
    %dma_start3A_25 = tpu.memref_slice %arg2[%multiple_of3A_24] : memref<425984xi32, #tpu.memory_space<hbm>> -> memref<128xi32, #tpu.memory_space<hbm>>
    %dma_start3A_26 = tpu.memref_slice %arg2[%multiple_of3A_24] : memref<425984xi32, #tpu.memory_space<hbm>> -> memref<128xi32, #tpu.memory_space<hbm>>
    tpu.enqueue_dma source(%dma_start3A_26 : memref<128xi32, #tpu.memory_space<hbm>>) target(%arg6 : memref<128xi32, #tpu.memory_space<vmem>>) target_semaphore(%arg12 : memref<!tpu.dma_semaphore, #tpu.memory_space<semaphore_mem>>)
    %dma_wait3A = arith.constant 0 : i32
    %dma_wait3A_27 = tpu.memref_slice %arg2[%dma_wait3A] : memref<425984xi32, #tpu.memory_space<hbm>> -> memref<128xi32, #tpu.memory_space<hbm>>
    %dma_wait3A_28 = arith.constant 0 : i32
    %dma_wait3A_29 = tpu.memref_slice %arg2[%dma_wait3A_28] : memref<425984xi32, #tpu.memory_space<hbm>> -> memref<128xi32, #tpu.memory_space<hbm>>
    tpu.wait_dma2 semaphore(%arg11 : memref<!tpu.dma_semaphore, #tpu.memory_space<semaphore_mem>>) src(%dma_wait3A_29 : memref<128xi32, #tpu.memory_space<hbm>>) dst(%arg5 : memref<128xi32, #tpu.memory_space<vmem>>)
    %shift_right_arithmetic3A_30 = arith.constant 7 : i32
    %shift_right_arithmetic3A_31 = arith.shrsi %mul3A_2, %shift_right_arithmetic3A_30 : i32
    %mul3A_32 = arith.constant 100000 : i32
    %mul3A_33 = arith.muli %shift_right_arithmetic3A_31, %mul3A_32 : i32
    %get3A = arith.constant 0 : index
    %get3A_34 = tpu.vector_load %arg5[%get3A] {strides = array<i32>} : memref<128xi32, #tpu.memory_space<vmem>>, vector<16xi32>,
    %add3A_35 = vector.broadcast %mul3A_33 : i32 to vector<16xi32>
    %add3A_36 = arith.addi %get3A_34, %add3A_35 : vector<16xi32>
    %and3A_37 = arith.constant -8192 : i32
    %and3A_38 = vector.broadcast %and3A_37 : i32 to vector<16xi32>
    %and3A_39 = arith.andi %add3A_36, %and3A_38 : vector<16xi32>
    %and3A_40 = arith.constant 2047 : i32
    %and3A_41 = vector.broadcast %and3A_40 : i32 to vector<16xi32>
    %and3A_42 = arith.andi %add3A_36, %and3A_41 : vector<16xi32>
    %shift_left3A_43 = arith.constant 2 : i32
    %shift_left3A_44 = vector.broadcast %shift_left3A_43 : i32 to vector<16xi32>
    %shift_left3A_45 = arith.shli %and3A_42, %shift_left3A_44 : vector<16xi32>
    %add3A_46 = arith.addi %and3A_39, %shift_left3A_45 : vector<16xi32>
    %and3A_47 = arith.constant 8191 : i32
    %and3A_48 = vector.broadcast %and3A_47 : i32 to vector<16xi32>
    %and3A_49 = arith.andi %add3A_36, %and3A_48 : vector<16xi32>
    %shift_right_arithmetic3A_50 = arith.constant 11 : i32
    %shift_right_arithmetic3A_51 = vector.broadcast %shift_right_arithmetic3A_50 : i32 to vector<16xi32>
    %shift_right_arithmetic3A_52 = arith.shrsi %and3A_49, %shift_right_arithmetic3A_51 : vector<16xi32>
    %add3A_53 = arith.addi %add3A_46, %shift_right_arithmetic3A_52 : vector<16xi32>
    %swap3A = arith.constant 0 : index
    %swap3A_54 = tpu.vector_load %arg5[%swap3A] {strides = array<i32>} : memref<128xi32, #tpu.memory_space<vmem>>, vector<16xi32>,
    tpu.vector_store %arg5[%swap3A], %add3A_53 {strides = array<i32>} : memref<128xi32, #tpu.memory_space<vmem>>, vector<16xi32>,
    %get3A_55 = arith.constant 16 : index
    %get3A_56 = tpu.vector_load %arg5[%get3A_55] {strides = array<i32>} : memref<128xi32, #tpu.memory_space<vmem>>, vector<16xi32>,
    %add3A_57 = vector.broadcast %mul3A_33 : i32 to vector<16xi32>
    %add3A_58 = arith.addi %get3A_56, %add3A_57 : vector<16xi32>
    %and3A_59 = arith.constant -8192 : i32
    %and3A_60 = vector.broadcast %and3A_59 : i32 to vector<16xi32>
    %and3A_61 = arith.andi %add3A_58, %and3A_60 : vector<16xi32>
    %and3A_62 = arith.constant 2047 : i32
    %and3A_63 = vector.broadcast %and3A_62 : i32 to vector<16xi32>
    %and3A_64 = arith.andi %add3A_58, %and3A_63 : vector<16xi32>
    %shift_left3A_65 = arith.constant 2 : i32
    %shift_left3A_66 = vector.broadcast %shift_left3A_65 : i32 to vector<16xi32>
    %shift_left3A_67 = arith.shli %and3A_64, %shift_left3A_66 : vector<16xi32>
    %add3A_68 = arith.addi %and3A_61, %shift_left3A_67 : vector<16xi32>
    %and3A_69 = arith.constant 8191 : i32
    %and3A_70 = vector.broadcast %and3A_69 : i32 to vector<16xi32>
    %and3A_71 = arith.andi %add3A_58, %and3A_70 : vector<16xi32>
    %shift_right_arithmetic3A_72 = arith.constant 11 : i32
    %shift_right_arithmetic3A_73 = vector.broadcast %shift_right_arithmetic3A_72 : i32 to vector<16xi32>
    %shift_right_arithmetic3A_74 = arith.shrsi %and3A_71, %shift_right_arithmetic3A_73 : vector<16xi32>
    %add3A_75 = arith.addi %add3A_68, %shift_right_arithmetic3A_74 : vector<16xi32>
    %swap3A_76 = arith.constant 16 : index
    %swap3A_77 = tpu.vector_load %arg5[%swap3A_76] {strides = array<i32>} : memref<128xi32, #tpu.memory_space<vmem>>, vector<16xi32>,
    tpu.vector_store %arg5[%swap3A_76], %add3A_75 {strides = array<i32>} : memref<128xi32, #tpu.memory_space<vmem>>, vector<16xi32>,
    %get3A_78 = arith.constant 32 : index
    %get3A_79 = tpu.vector_load %arg5[%get3A_78] {strides = array<i32>} : memref<128xi32, #tpu.memory_space<vmem>>, vector<16xi32>,
    %add3A_80 = vector.broadcast %mul3A_33 : i32 to vector<16xi32>
    %add3A_81 = arith.addi %get3A_79, %add3A_80 : vector<16xi32>
    %and3A_82 = arith.constant -8192 : i32
    %and3A_83 = vector.broadcast %and3A_82 : i32 to vector<16xi32>
    %and3A_84 = arith.andi %add3A_81, %and3A_83 : vector<16xi32>
    %and3A_85 = arith.constant 2047 : i32
    %and3A_86 = vector.broadcast %and3A_85 : i32 to vector<16xi32>
    %and3A_87 = arith.andi %add3A_81, %and3A_86 : vector<16xi32>
    %shift_left3A_88 = arith.constant 2 : i32
    %shift_left3A_89 = vector.broadcast %shift_left3A_88 : i32 to vector<16xi32>
    %shift_left3A_90 = arith.shli %and3A_87, %shift_left3A_89 : vector<16xi32>
    %add3A_91 = arith.addi %and3A_84, %shift_left3A_90 : vector<16xi32>
    %and3A_92 = arith.constant 8191 : i32
    %and3A_93 = vector.broadcast %and3A_92 : i32 to vector<16xi32>
    %and3A_94 = arith.andi %add3A_81, %and3A_93 : vector<16xi32>
    %shift_right_arithmetic3A_95 = arith.constant 11 : i32
    %shift_right_arithmetic3A_96 = vector.broadcast %shift_right_arithmetic3A_95 : i32 to vector<16xi32>
    %shift_right_arithmetic3A_97 = arith.shrsi %and3A_94, %shift_right_arithmetic3A_96 : vector<16xi32>
    %add3A_98 = arith.addi %add3A_91, %shift_right_arithmetic3A_97 : vector<16xi32>
    %swap3A_99 = arith.constant 32 : index
    %swap3A_100 = tpu.vector_load %arg5[%swap3A_99] {strides = array<i32>} : memref<128xi32, #tpu.memory_space<vmem>>, vector<16xi32>,
    tpu.vector_store %arg5[%swap3A_99], %add3A_98 {strides = array<i32>} : memref<128xi32, #tpu.memory_space<vmem>>, vector<16xi32>,
    %get3A_101 = arith.constant 48 : index
    %get3A_102 = tpu.vector_load %arg5[%get3A_101] {strides = array<i32>} : memref<128xi32, #tpu.memory_space<vmem>>, vector<16xi32>,
    %add3A_103 = vector.broadcast %mul3A_33 : i32 to vector<16xi32>
    %add3A_104 = arith.addi %get3A_102, %add3A_103 : vector<16xi32>
    %and3A_105 = arith.constant -8192 : i32
    %and3A_106 = vector.broadcast %and3A_105 : i32 to vector<16xi32>
    %and3A_107 = arith.andi %add3A_104, %and3A_106 : vector<16xi32>
    %and3A_108 = arith.constant 2047 : i32
    %and3A_109 = vector.broadcast %and3A_108 : i32 to vector<16xi32>
    %and3A_110 = arith.andi %add3A_104, %and3A_109 : vector<16xi32>
    %shift_left3A_111 = arith.constant 2 : i32
    %shift_left3A_112 = vector.broadcast %shift_left3A_111 : i32 to vector<16xi32>
    %shift_left3A_113 = arith.shli %and3A_110, %shift_left3A_112 : vector<16xi32>
    %add3A_114 = arith.addi %and3A_107, %shift_left3A_113 : vector<16xi32>
    %and3A_115 = arith.constant 8191 : i32
    %and3A_116 = vector.broadcast %and3A_115 : i32 to vector<16xi32>
    %and3A_117 = arith.andi %add3A_104, %and3A_116 : vector<16xi32>
    %shift_right_arithmetic3A_118 = arith.constant 11 : i32
    %shift_right_arithmetic3A_119 = vector.broadcast %shift_right_arithmetic3A_118 : i32 to vector<16xi32>
    %shift_right_arithmetic3A_120 = arith.shrsi %and3A_117, %shift_right_arithmetic3A_119 : vector<16xi32>
    %add3A_121 = arith.addi %add3A_114, %shift_right_arithmetic3A_120 : vector<16xi32>
    %swap3A_122 = arith.constant 48 : index
    %swap3A_123 = tpu.vector_load %arg5[%swap3A_122] {strides = array<i32>} : memref<128xi32, #tpu.memory_space<vmem>>, vector<16xi32>,
    tpu.vector_store %arg5[%swap3A_122], %add3A_121 {strides = array<i32>} : memref<128xi32, #tpu.memory_space<vmem>>, vector<16xi32>,
    %get3A_124 = arith.constant 64 : index
    %get3A_125 = tpu.vector_load %arg5[%get3A_124] {strides = array<i32>} : memref<128xi32, #tpu.memory_space<vmem>>, vector<16xi32>,
    %add3A_126 = vector.broadcast %mul3A_33 : i32 to vector<16xi32>
    %add3A_127 = arith.addi %get3A_125, %add3A_126 : vector<16xi32>
    %and3A_128 = arith.constant -8192 : i32
    %and3A_129 = vector.broadcast %and3A_128 : i32 to vector<16xi32>
    %and3A_130 = arith.andi %add3A_127, %and3A_129 : vector<16xi32>
    %and3A_131 = arith.constant 2047 : i32
    %and3A_132 = vector.broadcast %and3A_131 : i32 to vector<16xi32>
    %and3A_133 = arith.andi %add3A_127, %and3A_132 : vector<16xi32>
    %shift_left3A_134 = arith.constant 2 : i32
    %shift_left3A_135 = vector.broadcast %shift_left3A_134 : i32 to vector<16xi32>
    %shift_left3A_136 = arith.shli %and3A_133, %shift_left3A_135 : vector<16xi32>
    %add3A_137 = arith.addi %and3A_130, %shift_left3A_136 : vector<16xi32>
    %and3A_138 = arith.constant 8191 : i32
    %and3A_139 = vector.broadcast %and3A_138 : i32 to vector<16xi32>
    %and3A_140 = arith.andi %add3A_127, %and3A_139 : vector<16xi32>
    %shift_right_arithmetic3A_141 = arith.constant 11 : i32
    %shift_right_arithmetic3A_142 = vector.broadcast %shift_right_arithmetic3A_141 : i32 to vector<16xi32>
    %shift_right_arithmetic3A_143 = arith.shrsi %and3A_140, %shift_right_arithmetic3A_142 : vector<16xi32>
    %add3A_144 = arith.addi %add3A_137, %shift_right_arithmetic3A_143 : vector<16xi32>
    %swap3A_145 = arith.constant 64 : index
    %swap3A_146 = tpu.vector_load %arg5[%swap3A_145] {strides = array<i32>} : memref<128xi32, #tpu.memory_space<vmem>>, vector<16xi32>,
    tpu.vector_store %arg5[%swap3A_145], %add3A_144 {strides = array<i32>} : memref<128xi32, #tpu.memory_space<vmem>>, vector<16xi32>,
    %get3A_147 = arith.constant 80 : index
    %get3A_148 = tpu.vector_load %arg5[%get3A_147] {strides = array<i32>} : memref<128xi32, #tpu.memory_space<vmem>>, vector<16xi32>,
    %add3A_149 = vector.broadcast %mul3A_33 : i32 to vector<16xi32>
    %add3A_150 = arith.addi %get3A_148, %add3A_149 : vector<16xi32>
    %and3A_151 = arith.constant -8192 : i32
    %and3A_152 = vector.broadcast %and3A_151 : i32 to vector<16xi32>
    %and3A_153 = arith.andi %add3A_150, %and3A_152 : vector<16xi32>
    %and3A_154 = arith.constant 2047 : i32
    %and3A_155 = vector.broadcast %and3A_154 : i32 to vector<16xi32>
    %and3A_156 = arith.andi %add3A_150, %and3A_155 : vector<16xi32>
    %shift_left3A_157 = arith.constant 2 : i32
    %shift_left3A_158 = vector.broadcast %shift_left3A_157 : i32 to vector<16xi32>
    %shift_left3A_159 = arith.shli %and3A_156, %shift_left3A_158 : vector<16xi32>
    %add3A_160 = arith.addi %and3A_153, %shift_left3A_159 : vector<16xi32>
    %and3A_161 = arith.constant 8191 : i32
    %and3A_162 = vector.broadcast %and3A_161 : i32 to vector<16xi32>
    %and3A_163 = arith.andi %add3A_150, %and3A_162 : vector<16xi32>
    %shift_right_arithmetic3A_164 = arith.constant 11 : i32
    %shift_right_arithmetic3A_165 = vector.broadcast %shift_right_arithmetic3A_164 : i32 to vector<16xi32>
    %shift_right_arithmetic3A_166 = arith.shrsi %and3A_163, %shift_right_arithmetic3A_165 : vector<16xi32>
    %add3A_167 = arith.addi %add3A_160, %shift_right_arithmetic3A_166 : vector<16xi32>
    %swap3A_168 = arith.constant 80 : index
    %swap3A_169 = tpu.vector_load %arg5[%swap3A_168] {strides = array<i32>} : memref<128xi32, #tpu.memory_space<vmem>>, vector<16xi32>,
    tpu.vector_store %arg5[%swap3A_168], %add3A_167 {strides = array<i32>} : memref<128xi32, #tpu.memory_space<vmem>>, vector<16xi32>,
    %get3A_170 = arith.constant 96 : index
    %get3A_171 = tpu.vector_load %arg5[%get3A_170] {strides = array<i32>} : memref<128xi32, #tpu.memory_space<vmem>>, vector<16xi32>,
    %add3A_172 = vector.broadcast %mul3A_33 : i32 to vector<16xi32>
    %add3A_173 = arith.addi %get3A_171, %add3A_172 : vector<16xi32>
    %and3A_174 = arith.constant -8192 : i32
    %and3A_175 = vector.broadcast %and3A_174 : i32 to vector<16xi32>
    %and3A_176 = arith.andi %add3A_173, %and3A_175 : vector<16xi32>
    %and3A_177 = arith.constant 2047 : i32
    %and3A_178 = vector.broadcast %and3A_177 : i32 to vector<16xi32>
    %and3A_179 = arith.andi %add3A_173, %and3A_178 : vector<16xi32>
    %shift_left3A_180 = arith.constant 2 : i32
    %shift_left3A_181 = vector.broadcast %shift_left3A_180 : i32 to vector<16xi32>
    %shift_left3A_182 = arith.shli %and3A_179, %shift_left3A_181 : vector<16xi32>
    %add3A_183 = arith.addi %and3A_176, %shift_left3A_182 : vector<16xi32>
    %and3A_184 = arith.constant 8191 : i32
    %and3A_185 = vector.broadcast %and3A_184 : i32 to vector<16xi32>
    %and3A_186 = arith.andi %add3A_173, %and3A_185 : vector<16xi32>
    %shift_right_arithmetic3A_187 = arith.constant 11 : i32
    %shift_right_arithmetic3A_188 = vector.broadcast %shift_right_arithmetic3A_187 : i32 to vector<16xi32>
    %shift_right_arithmetic3A_189 = arith.shrsi %and3A_186, %shift_right_arithmetic3A_188 : vector<16xi32>
    %add3A_190 = arith.addi %add3A_183, %shift_right_arithmetic3A_189 : vector<16xi32>
    %swap3A_191 = arith.constant 96 : index
    %swap3A_192 = tpu.vector_load %arg5[%swap3A_191] {strides = array<i32>} : memref<128xi32, #tpu.memory_space<vmem>>, vector<16xi32>,
    tpu.vector_store %arg5[%swap3A_191], %add3A_190 {strides = array<i32>} : memref<128xi32, #tpu.memory_space<vmem>>, vector<16xi32>,
    %get3A_193 = arith.constant 112 : index
    %get3A_194 = tpu.vector_load %arg5[%get3A_193] {strides = array<i32>} : memref<128xi32, #tpu.memory_space<vmem>>, vector<16xi32>,
    %add3A_195 = vector.broadcast %mul3A_33 : i32 to vector<16xi32>
    %add3A_196 = arith.addi %get3A_194, %add3A_195 : vector<16xi32>
    %and3A_197 = arith.constant -8192 : i32
    %and3A_198 = vector.broadcast %and3A_197 : i32 to vector<16xi32>
    %and3A_199 = arith.andi %add3A_196, %and3A_198 : vector<16xi32>
    %and3A_200 = arith.constant 2047 : i32
    %and3A_201 = vector.broadcast %and3A_200 : i32 to vector<16xi32>
    %and3A_202 = arith.andi %add3A_196, %and3A_201 : vector<16xi32>
    %shift_left3A_203 = arith.constant 2 : i32
    %shift_left3A_204 = vector.broadcast %shift_left3A_203 : i32 to vector<16xi32>
    %shift_left3A_205 = arith.shli %and3A_202, %shift_left3A_204 : vector<16xi32>
    %add3A_206 = arith.addi %and3A_199, %shift_left3A_205 : vector<16xi32>
    %and3A_207 = arith.constant 8191 : i32
    %and3A_208 = vector.broadcast %and3A_207 : i32 to vector<16xi32>
    %and3A_209 = arith.andi %add3A_196, %and3A_208 : vector<16xi32>
    %shift_right_arithmetic3A_210 = arith.constant 11 : i32
    %shift_right_arithmetic3A_211 = vector.broadcast %shift_right_arithmetic3A_210 : i32 to vector<16xi32>
    %shift_right_arithmetic3A_212 = arith.shrsi %and3A_209, %shift_right_arithmetic3A_211 : vector<16xi32>
    %add3A_213 = arith.addi %add3A_206, %shift_right_arithmetic3A_212 : vector<16xi32>
    %swap3A_214 = arith.constant 112 : index
    %swap3A_215 = tpu.vector_load %arg5[%swap3A_214] {strides = array<i32>} : memref<128xi32, #tpu.memory_space<vmem>>, vector<16xi32>,
    tpu.vector_store %arg5[%swap3A_214], %add3A_213 {strides = array<i32>} : memref<128xi32, #tpu.memory_space<vmem>>, vector<16xi32>,
    %dma_start3A_216 = arith.constant 0 : i32
    %dma_start3A_217 = arith.constant 0 : i32
    %dma_start3A_218 = tpu.memref_slice %arg3[%dma_start3A_216, %dma_start3A_217] : memref<2605056x32xf32, #tpu.memory_space<hbm>> -> memref<2605056x32xf32, #tpu.memory_space<hbm>>
    tpu.enqueue_indirect_dma source(%dma_start3A_218 : memref<2605056x32xf32, #tpu.memory_space<hbm>>) target(%arg7 : memref<128x32xf32, #tpu.memory_space<vmem>>) offsets(%arg5 : memref<128xi32, #tpu.memory_space<vmem>>) semaphore(%arg13 : memref<!tpu.dma_semaphore, #tpu.memory_space<semaphore_mem>>)
    %scan3A = arith.constant 0 : i32
    %scan3A_219 = arith.constant 0 : i32
    %scan3A_220 = arith.constant 52 : i32
    %scan3A_221 = arith.addi %scan3A_219, %scan3A_220 : i32
    %scan3A_222 = arith.constant 1 : i32
    %scan3A_223 = scf.for %scan3A_289 = %scan3A_219 to %scan3A_221 step %scan3A_222 iter_args(%scan3A_290 = %scan3A) -> (i32)  : i32 {
      %mul3A_291 = arith.constant 2 : i32
      %mul3A_292 = arith.muli %mul3A_291, %scan3A_289 : i32
      %add3A_293 = arith.addi %mul3A_2, %mul3A_292 : i32
      %lt3A = arith.cmpi slt, %add3A_293, %sub3A_5 : i32
      %convert_element_type3A = arith.extui %lt3A : i1 to i32
      %cond3A = arith.constant 0 : i32
      %cond3A_294 = arith.cmpi ne, %convert_element_type3A, %cond3A : i32
      scf.if %cond3A_294 {
        %dma_wait3A_486 = arith.constant 0 : i32
        %dma_wait3A_487 = tpu.memref_slice %arg2[%dma_wait3A_486] : memref<425984xi32, #tpu.memory_space<hbm>> -> memref<128xi32, #tpu.memory_space<hbm>>
        %dma_wait3A_488 = arith.constant 0 : i32
        %dma_wait3A_489 = tpu.memref_slice %arg2[%dma_wait3A_488] : memref<425984xi32, #tpu.memory_space<hbm>> -> memref<128xi32, #tpu.memory_space<hbm>>
        tpu.wait_dma2 semaphore(%arg12 : memref<!tpu.dma_semaphore, #tpu.memory_space<semaphore_mem>>) src(%dma_wait3A_489 : memref<128xi32, #tpu.memory_space<hbm>>) dst(%arg6 : memref<128xi32, #tpu.memory_space<vmem>>)
        %add3A_490 = arith.constant 1 : i32
        %add3A_491 = arith.addi %add3A_293, %add3A_490 : i32
        %shift_right_arithmetic3A_492 = arith.constant 7 : i32
        %shift_right_arithmetic3A_493 = arith.shrsi %add3A_491, %shift_right_arithmetic3A_492 : i32
        %mul3A_494 = arith.constant 100000 : i32
        %mul3A_495 = arith.muli %shift_right_arithmetic3A_493, %mul3A_494 : i32
        %get3A_496 = arith.constant 0 : index
        %get3A_497 = tpu.vector_load %arg6[%get3A_496] {strides = array<i32>} : memref<128xi32, #tpu.memory_space<vmem>>, vector<16xi32>,
        %add3A_498 = vector.broadcast %mul3A_495 : i32 to vector<16xi32>
        %add3A_499 = arith.addi %get3A_497, %add3A_498 : vector<16xi32>
        %and3A_500 = arith.constant -8192 : i32
        %and3A_501 = vector.broadcast %and3A_500 : i32 to vector<16xi32>
        %and3A_502 = arith.andi %add3A_499, %and3A_501 : vector<16xi32>
        %and3A_503 = arith.constant 2047 : i32
        %and3A_504 = vector.broadcast %and3A_503 : i32 to vector<16xi32>
        %and3A_505 = arith.andi %add3A_499, %and3A_504 : vector<16xi32>
        %shift_left3A_506 = arith.constant 2 : i32
        %shift_left3A_507 = vector.broadcast %shift_left3A_506 : i32 to vector<16xi32>
        %shift_left3A_508 = arith.shli %and3A_505, %shift_left3A_507 : vector<16xi32>
        %add3A_509 = arith.addi %and3A_502, %shift_left3A_508 : vector<16xi32>
        %and3A_510 = arith.constant 8191 : i32
        %and3A_511 = vector.broadcast %and3A_510 : i32 to vector<16xi32>
        %and3A_512 = arith.andi %add3A_499, %and3A_511 : vector<16xi32>
        %shift_right_arithmetic3A_513 = arith.constant 11 : i32
        %shift_right_arithmetic3A_514 = vector.broadcast %shift_right_arithmetic3A_513 : i32 to vector<16xi32>
        %shift_right_arithmetic3A_515 = arith.shrsi %and3A_512, %shift_right_arithmetic3A_514 : vector<16xi32>
        %add3A_516 = arith.addi %add3A_509, %shift_right_arithmetic3A_515 : vector<16xi32>
        %swap3A_517 = arith.constant 0 : index
        %swap3A_518 = tpu.vector_load %arg6[%swap3A_517] {strides = array<i32>} : memref<128xi32, #tpu.memory_space<vmem>>, vector<16xi32>,
        tpu.vector_store %arg6[%swap3A_517], %add3A_516 {strides = array<i32>} : memref<128xi32, #tpu.memory_space<vmem>>, vector<16xi32>,
        %get3A_519 = arith.constant 16 : index
        %get3A_520 = tpu.vector_load %arg6[%get3A_519] {strides = array<i32>} : memref<128xi32, #tpu.memory_space<vmem>>, vector<16xi32>,
        %add3A_521 = vector.broadcast %mul3A_495 : i32 to vector<16xi32>
        %add3A_522 = arith.addi %get3A_520, %add3A_521 : vector<16xi32>
        %and3A_523 = arith.constant -8192 : i32
        %and3A_524 = vector.broadcast %and3A_523 : i32 to vector<16xi32>
        %and3A_525 = arith.andi %add3A_522, %and3A_524 : vector<16xi32>
        %and3A_526 = arith.constant 2047 : i32
        %and3A_527 = vector.broadcast %and3A_526 : i32 to vector<16xi32>
        %and3A_528 = arith.andi %add3A_522, %and3A_527 : vector<16xi32>
        %shift_left3A_529 = arith.constant 2 : i32
        %shift_left3A_530 = vector.broadcast %shift_left3A_529 : i32 to vector<16xi32>
        %shift_left3A_531 = arith.shli %and3A_528, %shift_left3A_530 : vector<16xi32>
        %add3A_532 = arith.addi %and3A_525, %shift_left3A_531 : vector<16xi32>
        %and3A_533 = arith.constant 8191 : i32
        %and3A_534 = vector.broadcast %and3A_533 : i32 to vector<16xi32>
        %and3A_535 = arith.andi %add3A_522, %and3A_534 : vector<16xi32>
        %shift_right_arithmetic3A_536 = arith.constant 11 : i32
        %shift_right_arithmetic3A_537 = vector.broadcast %shift_right_arithmetic3A_536 : i32 to vector<16xi32>
        %shift_right_arithmetic3A_538 = arith.shrsi %and3A_535, %shift_right_arithmetic3A_537 : vector<16xi32>
        %add3A_539 = arith.addi %add3A_532, %shift_right_arithmetic3A_538 : vector<16xi32>
        %swap3A_540 = arith.constant 16 : index
        %swap3A_541 = tpu.vector_load %arg6[%swap3A_540] {strides = array<i32>} : memref<128xi32, #tpu.memory_space<vmem>>, vector<16xi32>,
        tpu.vector_store %arg6[%swap3A_540], %add3A_539 {strides = array<i32>} : memref<128xi32, #tpu.memory_space<vmem>>, vector<16xi32>,
        %get3A_542 = arith.constant 32 : index
        %get3A_543 = tpu.vector_load %arg6[%get3A_542] {strides = array<i32>} : memref<128xi32, #tpu.memory_space<vmem>>, vector<16xi32>,
        %add3A_544 = vector.broadcast %mul3A_495 : i32 to vector<16xi32>
        %add3A_545 = arith.addi %get3A_543, %add3A_544 : vector<16xi32>
        %and3A_546 = arith.constant -8192 : i32
        %and3A_547 = vector.broadcast %and3A_546 : i32 to vector<16xi32>
        %and3A_548 = arith.andi %add3A_545, %and3A_547 : vector<16xi32>
        %and3A_549 = arith.constant 2047 : i32
        %and3A_550 = vector.broadcast %and3A_549 : i32 to vector<16xi32>
        %and3A_551 = arith.andi %add3A_545, %and3A_550 : vector<16xi32>
        %shift_left3A_552 = arith.constant 2 : i32
        %shift_left3A_553 = vector.broadcast %shift_left3A_552 : i32 to vector<16xi32>
        %shift_left3A_554 = arith.shli %and3A_551, %shift_left3A_553 : vector<16xi32>
        %add3A_555 = arith.addi %and3A_548, %shift_left3A_554 : vector<16xi32>
        %and3A_556 = arith.constant 8191 : i32
        %and3A_557 = vector.broadcast %and3A_556 : i32 to vector<16xi32>
        %and3A_558 = arith.andi %add3A_545, %and3A_557 : vector<16xi32>
        %shift_right_arithmetic3A_559 = arith.constant 11 : i32
        %shift_right_arithmetic3A_560 = vector.broadcast %shift_right_arithmetic3A_559 : i32 to vector<16xi32>
        %shift_right_arithmetic3A_561 = arith.shrsi %and3A_558, %shift_right_arithmetic3A_560 : vector<16xi32>
        %add3A_562 = arith.addi %add3A_555, %shift_right_arithmetic3A_561 : vector<16xi32>
        %swap3A_563 = arith.constant 32 : index
        %swap3A_564 = tpu.vector_load %arg6[%swap3A_563] {strides = array<i32>} : memref<128xi32, #tpu.memory_space<vmem>>, vector<16xi32>,
        tpu.vector_store %arg6[%swap3A_563], %add3A_562 {strides = array<i32>} : memref<128xi32, #tpu.memory_space<vmem>>, vector<16xi32>,
        %get3A_565 = arith.constant 48 : index
        %get3A_566 = tpu.vector_load %arg6[%get3A_565] {strides = array<i32>} : memref<128xi32, #tpu.memory_space<vmem>>, vector<16xi32>,
        %add3A_567 = vector.broadcast %mul3A_495 : i32 to vector<16xi32>
        %add3A_568 = arith.addi %get3A_566, %add3A_567 : vector<16xi32>
        %and3A_569 = arith.constant -8192 : i32
        %and3A_570 = vector.broadcast %and3A_569 : i32 to vector<16xi32>
        %and3A_571 = arith.andi %add3A_568, %and3A_570 : vector<16xi32>
        %and3A_572 = arith.constant 2047 : i32
        %and3A_573 = vector.broadcast %and3A_572 : i32 to vector<16xi32>
        %and3A_574 = arith.andi %add3A_568, %and3A_573 : vector<16xi32>
        %shift_left3A_575 = arith.constant 2 : i32
        %shift_left3A_576 = vector.broadcast %shift_left3A_575 : i32 to vector<16xi32>
        %shift_left3A_577 = arith.shli %and3A_574, %shift_left3A_576 : vector<16xi32>
        %add3A_578 = arith.addi %and3A_571, %shift_left3A_577 : vector<16xi32>
        %and3A_579 = arith.constant 8191 : i32
        %and3A_580 = vector.broadcast %and3A_579 : i32 to vector<16xi32>
        %and3A_581 = arith.andi %add3A_568, %and3A_580 : vector<16xi32>
        %shift_right_arithmetic3A_582 = arith.constant 11 : i32
        %shift_right_arithmetic3A_583 = vector.broadcast %shift_right_arithmetic3A_582 : i32 to vector<16xi32>
        %shift_right_arithmetic3A_584 = arith.shrsi %and3A_581, %shift_right_arithmetic3A_583 : vector<16xi32>
        %add3A_585 = arith.addi %add3A_578, %shift_right_arithmetic3A_584 : vector<16xi32>
        %swap3A_586 = arith.constant 48 : index
        %swap3A_587 = tpu.vector_load %arg6[%swap3A_586] {strides = array<i32>} : memref<128xi32, #tpu.memory_space<vmem>>, vector<16xi32>,
        tpu.vector_store %arg6[%swap3A_586], %add3A_585 {strides = array<i32>} : memref<128xi32, #tpu.memory_space<vmem>>, vector<16xi32>,
        %get3A_588 = arith.constant 64 : index
        %get3A_589 = tpu.vector_load %arg6[%get3A_588] {strides = array<i32>} : memref<128xi32, #tpu.memory_space<vmem>>, vector<16xi32>,
        %add3A_590 = vector.broadcast %mul3A_495 : i32 to vector<16xi32>
        %add3A_591 = arith.addi %get3A_589, %add3A_590 : vector<16xi32>
        %and3A_592 = arith.constant -8192 : i32
        %and3A_593 = vector.broadcast %and3A_592 : i32 to vector<16xi32>
        %and3A_594 = arith.andi %add3A_591, %and3A_593 : vector<16xi32>
        %and3A_595 = arith.constant 2047 : i32
        %and3A_596 = vector.broadcast %and3A_595 : i32 to vector<16xi32>
        %and3A_597 = arith.andi %add3A_591, %and3A_596 : vector<16xi32>
        %shift_left3A_598 = arith.constant 2 : i32
        %shift_left3A_599 = vector.broadcast %shift_left3A_598 : i32 to vector<16xi32>
        %shift_left3A_600 = arith.shli %and3A_597, %shift_left3A_599 : vector<16xi32>
        %add3A_601 = arith.addi %and3A_594, %shift_left3A_600 : vector<16xi32>
        %and3A_602 = arith.constant 8191 : i32
        %and3A_603 = vector.broadcast %and3A_602 : i32 to vector<16xi32>
        %and3A_604 = arith.andi %add3A_591, %and3A_603 : vector<16xi32>
        %shift_right_arithmetic3A_605 = arith.constant 11 : i32
        %shift_right_arithmetic3A_606 = vector.broadcast %shift_right_arithmetic3A_605 : i32 to vector<16xi32>
        %shift_right_arithmetic3A_607 = arith.shrsi %and3A_604, %shift_right_arithmetic3A_606 : vector<16xi32>
        %add3A_608 = arith.addi %add3A_601, %shift_right_arithmetic3A_607 : vector<16xi32>
        %swap3A_609 = arith.constant 64 : index
        %swap3A_610 = tpu.vector_load %arg6[%swap3A_609] {strides = array<i32>} : memref<128xi32, #tpu.memory_space<vmem>>, vector<16xi32>,
        tpu.vector_store %arg6[%swap3A_609], %add3A_608 {strides = array<i32>} : memref<128xi32, #tpu.memory_space<vmem>>, vector<16xi32>,
        %get3A_611 = arith.constant 80 : index
        %get3A_612 = tpu.vector_load %arg6[%get3A_611] {strides = array<i32>} : memref<128xi32, #tpu.memory_space<vmem>>, vector<16xi32>,
        %add3A_613 = vector.broadcast %mul3A_495 : i32 to vector<16xi32>
        %add3A_614 = arith.addi %get3A_612, %add3A_613 : vector<16xi32>
        %and3A_615 = arith.constant -8192 : i32
        %and3A_616 = vector.broadcast %and3A_615 : i32 to vector<16xi32>
        %and3A_617 = arith.andi %add3A_614, %and3A_616 : vector<16xi32>
        %and3A_618 = arith.constant 2047 : i32
        %and3A_619 = vector.broadcast %and3A_618 : i32 to vector<16xi32>
        %and3A_620 = arith.andi %add3A_614, %and3A_619 : vector<16xi32>
        %shift_left3A_621 = arith.constant 2 : i32
        %shift_left3A_622 = vector.broadcast %shift_left3A_621 : i32 to vector<16xi32>
        %shift_left3A_623 = arith.shli %and3A_620, %shift_left3A_622 : vector<16xi32>
        %add3A_624 = arith.addi %and3A_617, %shift_left3A_623 : vector<16xi32>
        %and3A_625 = arith.constant 8191 : i32
        %and3A_626 = vector.broadcast %and3A_625 : i32 to vector<16xi32>
        %and3A_627 = arith.andi %add3A_614, %and3A_626 : vector<16xi32>
        %shift_right_arithmetic3A_628 = arith.constant 11 : i32
        %shift_right_arithmetic3A_629 = vector.broadcast %shift_right_arithmetic3A_628 : i32 to vector<16xi32>
        %shift_right_arithmetic3A_630 = arith.shrsi %and3A_627, %shift_right_arithmetic3A_629 : vector<16xi32>
        %add3A_631 = arith.addi %add3A_624, %shift_right_arithmetic3A_630 : vector<16xi32>
        %swap3A_632 = arith.constant 80 : index
        %swap3A_633 = tpu.vector_load %arg6[%swap3A_632] {strides = array<i32>} : memref<128xi32, #tpu.memory_space<vmem>>, vector<16xi32>,
        tpu.vector_store %arg6[%swap3A_632], %add3A_631 {strides = array<i32>} : memref<128xi32, #tpu.memory_space<vmem>>, vector<16xi32>,
        %get3A_634 = arith.constant 96 : index
        %get3A_635 = tpu.vector_load %arg6[%get3A_634] {strides = array<i32>} : memref<128xi32, #tpu.memory_space<vmem>>, vector<16xi32>,
        %add3A_636 = vector.broadcast %mul3A_495 : i32 to vector<16xi32>
        %add3A_637 = arith.addi %get3A_635, %add3A_636 : vector<16xi32>
        %and3A_638 = arith.constant -8192 : i32
        %and3A_639 = vector.broadcast %and3A_638 : i32 to vector<16xi32>
        %and3A_640 = arith.andi %add3A_637, %and3A_639 : vector<16xi32>
        %and3A_641 = arith.constant 2047 : i32
        %and3A_642 = vector.broadcast %and3A_641 : i32 to vector<16xi32>
        %and3A_643 = arith.andi %add3A_637, %and3A_642 : vector<16xi32>
        %shift_left3A_644 = arith.constant 2 : i32
        %shift_left3A_645 = vector.broadcast %shift_left3A_644 : i32 to vector<16xi32>
        %shift_left3A_646 = arith.shli %and3A_643, %shift_left3A_645 : vector<16xi32>
        %add3A_647 = arith.addi %and3A_640, %shift_left3A_646 : vector<16xi32>
        %and3A_648 = arith.constant 8191 : i32
        %and3A_649 = vector.broadcast %and3A_648 : i32 to vector<16xi32>
        %and3A_650 = arith.andi %add3A_637, %and3A_649 : vector<16xi32>
        %shift_right_arithmetic3A_651 = arith.constant 11 : i32
        %shift_right_arithmetic3A_652 = vector.broadcast %shift_right_arithmetic3A_651 : i32 to vector<16xi32>
        %shift_right_arithmetic3A_653 = arith.shrsi %and3A_650, %shift_right_arithmetic3A_652 : vector<16xi32>
        %add3A_654 = arith.addi %add3A_647, %shift_right_arithmetic3A_653 : vector<16xi32>
        %swap3A_655 = arith.constant 96 : index
        %swap3A_656 = tpu.vector_load %arg6[%swap3A_655] {strides = array<i32>} : memref<128xi32, #tpu.memory_space<vmem>>, vector<16xi32>,
        tpu.vector_store %arg6[%swap3A_655], %add3A_654 {strides = array<i32>} : memref<128xi32, #tpu.memory_space<vmem>>, vector<16xi32>,
        %get3A_657 = arith.constant 112 : index
        %get3A_658 = tpu.vector_load %arg6[%get3A_657] {strides = array<i32>} : memref<128xi32, #tpu.memory_space<vmem>>, vector<16xi32>,
        %add3A_659 = vector.broadcast %mul3A_495 : i32 to vector<16xi32>
        %add3A_660 = arith.addi %get3A_658, %add3A_659 : vector<16xi32>
        %and3A_661 = arith.constant -8192 : i32
        %and3A_662 = vector.broadcast %and3A_661 : i32 to vector<16xi32>
        %and3A_663 = arith.andi %add3A_660, %and3A_662 : vector<16xi32>
        %and3A_664 = arith.constant 2047 : i32
        %and3A_665 = vector.broadcast %and3A_664 : i32 to vector<16xi32>
        %and3A_666 = arith.andi %add3A_660, %and3A_665 : vector<16xi32>
        %shift_left3A_667 = arith.constant 2 : i32
        %shift_left3A_668 = vector.broadcast %shift_left3A_667 : i32 to vector<16xi32>
        %shift_left3A_669 = arith.shli %and3A_666, %shift_left3A_668 : vector<16xi32>
        %add3A_670 = arith.addi %and3A_663, %shift_left3A_669 : vector<16xi32>
        %and3A_671 = arith.constant 8191 : i32
        %and3A_672 = vector.broadcast %and3A_671 : i32 to vector<16xi32>
        %and3A_673 = arith.andi %add3A_660, %and3A_672 : vector<16xi32>
        %shift_right_arithmetic3A_674 = arith.constant 11 : i32
        %shift_right_arithmetic3A_675 = vector.broadcast %shift_right_arithmetic3A_674 : i32 to vector<16xi32>
        %shift_right_arithmetic3A_676 = arith.shrsi %and3A_673, %shift_right_arithmetic3A_675 : vector<16xi32>
        %add3A_677 = arith.addi %add3A_670, %shift_right_arithmetic3A_676 : vector<16xi32>
        %swap3A_678 = arith.constant 112 : index
        %swap3A_679 = tpu.vector_load %arg6[%swap3A_678] {strides = array<i32>} : memref<128xi32, #tpu.memory_space<vmem>>, vector<16xi32>,
        tpu.vector_store %arg6[%swap3A_678], %add3A_677 {strides = array<i32>} : memref<128xi32, #tpu.memory_space<vmem>>, vector<16xi32>,
        %dma_start3A_680 = arith.constant 0 : i32
        %dma_start3A_681 = arith.constant 0 : i32
        %dma_start3A_682 = tpu.memref_slice %arg3[%dma_start3A_680, %dma_start3A_681] : memref<2605056x32xf32, #tpu.memory_space<hbm>> -> memref<2605056x32xf32, #tpu.memory_space<hbm>>
        tpu.enqueue_indirect_dma source(%dma_start3A_682 : memref<2605056x32xf32, #tpu.memory_space<hbm>>) target(%arg8 : memref<128x32xf32, #tpu.memory_space<vmem>>) offsets(%arg6 : memref<128xi32, #tpu.memory_space<vmem>>) semaphore(%arg14 : memref<!tpu.dma_semaphore, #tpu.memory_space<semaphore_mem>>)
      } else {
      }
      %dma_wait3A_295 = arith.constant 0 : i32
      %dma_wait3A_296 = arith.constant 0 : i32
      %dma_wait3A_297 = tpu.memref_slice %arg3[%dma_wait3A_295, %dma_wait3A_296] : memref<2605056x32xf32, #tpu.memory_space<hbm>> -> memref<128x32xf32, #tpu.memory_space<hbm>>
      %dma_wait3A_298 = arith.constant 0 : i32
      %dma_wait3A_299 = arith.constant 0 : i32
      %dma_wait3A_300 = tpu.memref_slice %arg3[%dma_wait3A_298, %dma_wait3A_299] : memref<2605056x32xf32, #tpu.memory_space<hbm>> -> memref<128x32xf32, #tpu.memory_space<hbm>>
      tpu.wait_dma2 semaphore(%arg13 : memref<!tpu.dma_semaphore, #tpu.memory_space<semaphore_mem>>) src(%dma_wait3A_300 : memref<128x32xf32, #tpu.memory_space<hbm>>) dst(%arg7 : memref<128x32xf32, #tpu.memory_space<vmem>>)
      %add3A_301 = arith.constant 2 : i32
      %add3A_302 = arith.addi %add3A_293, %add3A_301 : i32
      %le3A = arith.cmpi sle, %add3A_302, %sub3A_5 : i32
      %convert_element_type3A_303 = arith.extui %le3A : i1 to i32
      %cond3A_304 = arith.constant 0 : i32
      %cond3A_305 = arith.cmpi ne, %convert_element_type3A_303, %cond3A_304 : i32
      scf.if %cond3A_305 {
        %add3A_486 = arith.constant 2 : i32
        %add3A_487 = arith.addi %add3A_293, %add3A_486 : i32
        %shift_right_arithmetic3A_488 = arith.constant 7 : i32
        %shift_right_arithmetic3A_489 = arith.shrsi %add3A_487, %shift_right_arithmetic3A_488 : i32
        %shift_left3A_490 = arith.constant 14 : i32
        %shift_left3A_491 = arith.shli %shift_right_arithmetic3A_489, %shift_left3A_490 : i32
        %and3A_492 = arith.constant 127 : i32
        %and3A_493 = arith.andi %add3A_487, %and3A_492 : i32
        %shift_left3A_494 = arith.constant 7 : i32
        %shift_left3A_495 = arith.shli %and3A_493, %shift_left3A_494 : i32
        %add3A_496 = arith.addi %shift_left3A_491, %shift_left3A_495 : i32
        %multiple_of3A_497 = tpu.assume_multiple %add3A_496, 128 : i32
        %dma_start3A_498 = tpu.memref_slice %arg2[%multiple_of3A_497] : memref<425984xi32, #tpu.memory_space<hbm>> -> memref<128xi32, #tpu.memory_space<hbm>>
        %dma_start3A_499 = tpu.memref_slice %arg2[%multiple_of3A_497] : memref<425984xi32, #tpu.memory_space<hbm>> -> memref<128xi32, #tpu.memory_space<hbm>>
        tpu.enqueue_dma source(%dma_start3A_499 : memref<128xi32, #tpu.memory_space<hbm>>) target(%arg5 : memref<128xi32, #tpu.memory_space<vmem>>) target_semaphore(%arg11 : memref<!tpu.dma_semaphore, #tpu.memory_space<semaphore_mem>>)
      } else {
      }
      %add3A_306 = arith.constant 2 : i32
      %add3A_307 = arith.addi %mul3A_2, %add3A_306 : i32
      %ge3A = arith.cmpi sge, %add3A_293, %add3A_307 : i32
      %convert_element_type3A_308 = arith.extui %ge3A : i1 to i32
      %cond3A_309 = arith.constant 0 : i32
      %cond3A_310 = arith.cmpi ne, %convert_element_type3A_308, %cond3A_309 : i32
      scf.if %cond3A_310 {
        %dma_wait3A_486 = arith.constant 0 : i32
        %dma_wait3A_487 = tpu.memref_slice %arg9[%dma_wait3A_486] : memref<4096xf32, #tpu.memory_space<vmem>> -> memref<1024xf32, #tpu.memory_space<vmem>>
        %dma_wait3A_488 = arith.constant 0 : i32
        %dma_wait3A_489 = tpu.memref_slice %arg4[%dma_wait3A_488] : memref<13631488xf32, #tpu.memory_space<hbm>> -> memref<1024xf32, #tpu.memory_space<hbm>>
        %dma_wait3A_490 = arith.constant 0 : i32
        %dma_wait3A_491 = tpu.memref_slice %arg9[%dma_wait3A_490] : memref<4096xf32, #tpu.memory_space<vmem>> -> memref<1024xf32, #tpu.memory_space<vmem>>
        %dma_wait3A_492 = arith.constant 0 : i32
        %dma_wait3A_493 = tpu.memref_slice %arg4[%dma_wait3A_492] : memref<13631488xf32, #tpu.memory_space<hbm>> -> memref<1024xf32, #tpu.memory_space<hbm>>
        tpu.wait_dma2 semaphore(%arg15 : memref<!tpu.dma_semaphore, #tpu.memory_space<semaphore_mem>>) src(%dma_wait3A_493 : memref<1024xf32, #tpu.memory_space<hbm>>) dst(%dma_wait3A_491 : memref<1024xf32, #tpu.memory_space<vmem>>)
        %dma_wait3A_494 = arith.constant 1024 : i32
        %dma_wait3A_495 = tpu.memref_slice %arg9[%dma_wait3A_494] : memref<4096xf32, #tpu.memory_space<vmem>> -> memref<1024xf32, #tpu.memory_space<vmem>>
        %dma_wait3A_496 = arith.constant 1024 : i32
        %dma_wait3A_497 = tpu.memref_slice %arg4[%dma_wait3A_496] : memref<13631488xf32, #tpu.memory_space<hbm>> -> memref<1024xf32, #tpu.memory_space<hbm>>
        %dma_wait3A_498 = arith.constant 1024 : i32
        %dma_wait3A_499 = tpu.memref_slice %arg9[%dma_wait3A_498] : memref<4096xf32, #tpu.memory_space<vmem>> -> memref<1024xf32, #tpu.memory_space<vmem>>
        %dma_wait3A_500 = arith.constant 1024 : i32
        %dma_wait3A_501 = tpu.memref_slice %arg4[%dma_wait3A_500] : memref<13631488xf32, #tpu.memory_space<hbm>> -> memref<1024xf32, #tpu.memory_space<hbm>>
        tpu.wait_dma2 semaphore(%arg15 : memref<!tpu.dma_semaphore, #tpu.memory_space<semaphore_mem>>) src(%dma_wait3A_501 : memref<1024xf32, #tpu.memory_space<hbm>>) dst(%dma_wait3A_499 : memref<1024xf32, #tpu.memory_space<vmem>>)
        %dma_wait3A_502 = arith.constant 2048 : i32
        %dma_wait3A_503 = tpu.memref_slice %arg9[%dma_wait3A_502] : memref<4096xf32, #tpu.memory_space<vmem>> -> memref<1024xf32, #tpu.memory_space<vmem>>
        %dma_wait3A_504 = arith.constant 2048 : i32
        %dma_wait3A_505 = tpu.memref_slice %arg4[%dma_wait3A_504] : memref<13631488xf32, #tpu.memory_space<hbm>> -> memref<1024xf32, #tpu.memory_space<hbm>>
        %dma_wait3A_506 = arith.constant 2048 : i32
        %dma_wait3A_507 = tpu.memref_slice %arg9[%dma_wait3A_506] : memref<4096xf32, #tpu.memory_space<vmem>> -> memref<1024xf32, #tpu.memory_space<vmem>>
        %dma_wait3A_508 = arith.constant 2048 : i32
        %dma_wait3A_509 = tpu.memref_slice %arg4[%dma_wait3A_508] : memref<13631488xf32, #tpu.memory_space<hbm>> -> memref<1024xf32, #tpu.memory_space<hbm>>
        tpu.wait_dma2 semaphore(%arg15 : memref<!tpu.dma_semaphore, #tpu.memory_space<semaphore_mem>>) src(%dma_wait3A_509 : memref<1024xf32, #tpu.memory_space<hbm>>) dst(%dma_wait3A_507 : memref<1024xf32, #tpu.memory_space<vmem>>)
        %dma_wait3A_510 = arith.constant 3072 : i32
        %dma_wait3A_511 = tpu.memref_slice %arg9[%dma_wait3A_510] : memref<4096xf32, #tpu.memory_space<vmem>> -> memref<1024xf32, #tpu.memory_space<vmem>>
        %dma_wait3A_512 = arith.constant 3072 : i32
        %dma_wait3A_513 = tpu.memref_slice %arg4[%dma_wait3A_512] : memref<13631488xf32, #tpu.memory_space<hbm>> -> memref<1024xf32, #tpu.memory_space<hbm>>
        %dma_wait3A_514 = arith.constant 3072 : i32
        %dma_wait3A_515 = tpu.memref_slice %arg9[%dma_wait3A_514] : memref<4096xf32, #tpu.memory_space<vmem>> -> memref<1024xf32, #tpu.memory_space<vmem>>
        %dma_wait3A_516 = arith.constant 3072 : i32
        %dma_wait3A_517 = tpu.memref_slice %arg4[%dma_wait3A_516] : memref<13631488xf32, #tpu.memory_space<hbm>> -> memref<1024xf32, #tpu.memory_space<hbm>>
        tpu.wait_dma2 semaphore(%arg15 : memref<!tpu.dma_semaphore, #tpu.memory_space<semaphore_mem>>) src(%dma_wait3A_517 : memref<1024xf32, #tpu.memory_space<hbm>>) dst(%dma_wait3A_515 : memref<1024xf32, #tpu.memory_space<vmem>>)
      } else {
      }
      %scan3A_311 = arith.constant 0 : i32
      %scan3A_312 = arith.constant 0 : i32
      %scan3A_313 = arith.constant 32 : i32
      %scan3A_314 = arith.addi %scan3A_312, %scan3A_313 : i32
      %scan3A_315 = arith.constant 1 : i32
      %scan3A_316 = scf.for %scan3A_486 = %scan3A_312 to %scan3A_314 step %scan3A_315 iter_args(%scan3A_487 = %scan3A_311) -> (i32)  : i32 {
        %broadcast_in_dim3A = vector.broadcast %scan3A_486 : i32 to vector<16xi32>
        %mul3A_488 = arith.constant 128 : i32
        %mul3A_489 = arith.muli %scan3A_486, %mul3A_488 : i32
        %multiple_of3A_490 = tpu.assume_multiple %mul3A_489, 128 : i32
        %add3A_491 = arith.constant 0 : i32
        %add3A_492 = vector.broadcast %add3A_491 : i32 to vector<16xi32>
        %add3A_493 = arith.addi %iota3A, %add3A_492 : vector<16xi32>
        %gather3A = tpu.vector_load_idx %arg7[%add3A_493, %broadcast_in_dim3A] : memref<128x32xf32, #tpu.memory_space<vmem>>[vector<16xi32>, vector<16xi32>], vector<16xf32>,
        %add3A_494 = arith.constant 0 : i32
        %add3A_495 = arith.addi %multiple_of3A_490, %add3A_494 : i32
        %swap3A_496 = arith.index_cast %add3A_495 : i32 to index
        %swap3A_497 = tpu.vector_load %arg9[%swap3A_496] {strides = array<i32>} : memref<4096xf32, #tpu.memory_space<vmem>>, vector<16xf32>,
        tpu.vector_store %arg9[%swap3A_496], %gather3A {strides = array<i32>} : memref<4096xf32, #tpu.memory_space<vmem>>, vector<16xf32>,
        %add3A_498 = arith.constant 16 : i32
        %add3A_499 = vector.broadcast %add3A_498 : i32 to vector<16xi32>
        %add3A_500 = arith.addi %iota3A, %add3A_499 : vector<16xi32>
        %gather3A_501 = tpu.vector_load_idx %arg7[%add3A_500, %broadcast_in_dim3A] : memref<128x32xf32, #tpu.memory_space<vmem>>[vector<16xi32>, vector<16xi32>], vector<16xf32>,
        %add3A_502 = arith.constant 16 : i32
        %add3A_503 = arith.addi %multiple_of3A_490, %add3A_502 : i32
        %swap3A_504 = arith.index_cast %add3A_503 : i32 to index
        %swap3A_505 = tpu.vector_load %arg9[%swap3A_504] {strides = array<i32>} : memref<4096xf32, #tpu.memory_space<vmem>>, vector<16xf32>,
        tpu.vector_store %arg9[%swap3A_504], %gather3A_501 {strides = array<i32>} : memref<4096xf32, #tpu.memory_space<vmem>>, vector<16xf32>,
        %add3A_506 = arith.constant 32 : i32
        %add3A_507 = vector.broadcast %add3A_506 : i32 to vector<16xi32>
        %add3A_508 = arith.addi %iota3A, %add3A_507 : vector<16xi32>
        %gather3A_509 = tpu.vector_load_idx %arg7[%add3A_508, %broadcast_in_dim3A] : memref<128x32xf32, #tpu.memory_space<vmem>>[vector<16xi32>, vector<16xi32>], vector<16xf32>,
        %add3A_510 = arith.constant 32 : i32
        %add3A_511 = arith.addi %multiple_of3A_490, %add3A_510 : i32
        %swap3A_512 = arith.index_cast %add3A_511 : i32 to index
        %swap3A_513 = tpu.vector_load %arg9[%swap3A_512] {strides = array<i32>} : memref<4096xf32, #tpu.memory_space<vmem>>, vector<16xf32>,
        tpu.vector_store %arg9[%swap3A_512], %gather3A_509 {strides = array<i32>} : memref<4096xf32, #tpu.memory_space<vmem>>, vector<16xf32>,
        %add3A_514 = arith.constant 48 : i32
        %add3A_515 = vector.broadcast %add3A_514 : i32 to vector<16xi32>
        %add3A_516 = arith.addi %iota3A, %add3A_515 : vector<16xi32>
        %gather3A_517 = tpu.vector_load_idx %arg7[%add3A_516, %broadcast_in_dim3A] : memref<128x32xf32, #tpu.memory_space<vmem>>[vector<16xi32>, vector<16xi32>], vector<16xf32>,
        %add3A_518 = arith.constant 48 : i32
        %add3A_519 = arith.addi %multiple_of3A_490, %add3A_518 : i32
        %swap3A_520 = arith.index_cast %add3A_519 : i32 to index
        %swap3A_521 = tpu.vector_load %arg9[%swap3A_520] {strides = array<i32>} : memref<4096xf32, #tpu.memory_space<vmem>>, vector<16xf32>,
        tpu.vector_store %arg9[%swap3A_520], %gather3A_517 {strides = array<i32>} : memref<4096xf32, #tpu.memory_space<vmem>>, vector<16xf32>,
        %add3A_522 = arith.constant 64 : i32
        %add3A_523 = vector.broadcast %add3A_522 : i32 to vector<16xi32>
        %add3A_524 = arith.addi %iota3A, %add3A_523 : vector<16xi32>
        %gather3A_525 = tpu.vector_load_idx %arg7[%add3A_524, %broadcast_in_dim3A] : memref<128x32xf32, #tpu.memory_space<vmem>>[vector<16xi32>, vector<16xi32>], vector<16xf32>,
        %add3A_526 = arith.constant 64 : i32
        %add3A_527 = arith.addi %multiple_of3A_490, %add3A_526 : i32
        %swap3A_528 = arith.index_cast %add3A_527 : i32 to index
        %swap3A_529 = tpu.vector_load %arg9[%swap3A_528] {strides = array<i32>} : memref<4096xf32, #tpu.memory_space<vmem>>, vector<16xf32>,
        tpu.vector_store %arg9[%swap3A_528], %gather3A_525 {strides = array<i32>} : memref<4096xf32, #tpu.memory_space<vmem>>, vector<16xf32>,
        %add3A_530 = arith.constant 80 : i32
        %add3A_531 = vector.broadcast %add3A_530 : i32 to vector<16xi32>
        %add3A_532 = arith.addi %iota3A, %add3A_531 : vector<16xi32>
        %gather3A_533 = tpu.vector_load_idx %arg7[%add3A_532, %broadcast_in_dim3A] : memref<128x32xf32, #tpu.memory_space<vmem>>[vector<16xi32>, vector<16xi32>], vector<16xf32>,
        %add3A_534 = arith.constant 80 : i32
        %add3A_535 = arith.addi %multiple_of3A_490, %add3A_534 : i32
        %swap3A_536 = arith.index_cast %add3A_535 : i32 to index
        %swap3A_537 = tpu.vector_load %arg9[%swap3A_536] {strides = array<i32>} : memref<4096xf32, #tpu.memory_space<vmem>>, vector<16xf32>,
        tpu.vector_store %arg9[%swap3A_536], %gather3A_533 {strides = array<i32>} : memref<4096xf32, #tpu.memory_space<vmem>>, vector<16xf32>,
        %add3A_538 = arith.constant 96 : i32
        %add3A_539 = vector.broadcast %add3A_538 : i32 to vector<16xi32>
        %add3A_540 = arith.addi %iota3A, %add3A_539 : vector<16xi32>
        %gather3A_541 = tpu.vector_load_idx %arg7[%add3A_540, %broadcast_in_dim3A] : memref<128x32xf32, #tpu.memory_space<vmem>>[vector<16xi32>, vector<16xi32>], vector<16xf32>,
        %add3A_542 = arith.constant 96 : i32
        %add3A_543 = arith.addi %multiple_of3A_490, %add3A_542 : i32
        %swap3A_544 = arith.index_cast %add3A_543 : i32 to index
        %swap3A_545 = tpu.vector_load %arg9[%swap3A_544] {strides = array<i32>} : memref<4096xf32, #tpu.memory_space<vmem>>, vector<16xf32>,
        tpu.vector_store %arg9[%swap3A_544], %gather3A_541 {strides = array<i32>} : memref<4096xf32, #tpu.memory_space<vmem>>, vector<16xf32>,
        %add3A_546 = arith.constant 112 : i32
        %add3A_547 = vector.broadcast %add3A_546 : i32 to vector<16xi32>
        %add3A_548 = arith.addi %iota3A, %add3A_547 : vector<16xi32>
        %gather3A_549 = tpu.vector_load_idx %arg7[%add3A_548, %broadcast_in_dim3A] : memref<128x32xf32, #tpu.memory_space<vmem>>[vector<16xi32>, vector<16xi32>], vector<16xf32>,
        %add3A_550 = arith.constant 112 : i32
        %add3A_551 = arith.addi %multiple_of3A_490, %add3A_550 : i32
        %swap3A_552 = arith.index_cast %add3A_551 : i32 to index
        %swap3A_553 = tpu.vector_load %arg9[%swap3A_552] {strides = array<i32>} : memref<4096xf32, #tpu.memory_space<vmem>>, vector<16xf32>,
        tpu.vector_store %arg9[%swap3A_552], %gather3A_549 {strides = array<i32>} : memref<4096xf32, #tpu.memory_space<vmem>>, vector<16xf32>,
        %scan3A_554 = arith.constant 0 : i32
        scf.yield %scan3A_554 : i32
      }
      %scan3A_317 = arith.constant 32 : i32
      %shift_right_arithmetic3A_318 = arith.constant 7 : i32
      %shift_right_arithmetic3A_319 = arith.shrsi %add3A_293, %shift_right_arithmetic3A_318 : i32
      %and3A_320 = arith.constant 127 : i32
      %and3A_321 = arith.andi %add3A_293, %and3A_320 : i32
      %mul3A_322 = arith.constant 4 : i32
      %mul3A_323 = arith.muli %shift_right_arithmetic3A_319, %mul3A_322 : i32
      %add3A_324 = arith.constant 0 : i32
      %add3A_325 = arith.addi %mul3A_323, %add3A_324 : i32
      %mul3A_326 = arith.constant 128 : i32
      %mul3A_327 = arith.muli %add3A_325, %mul3A_326 : i32
      %add3A_328 = arith.addi %mul3A_327, %and3A_321 : i32
      %mul3A_329 = arith.constant 1024 : i32
      %mul3A_330 = arith.muli %add3A_328, %mul3A_329 : i32
      %multiple_of3A_331 = tpu.assume_multiple %mul3A_330, 1024 : i32
      %dma_start3A_332 = arith.constant 0 : i32
      %dma_start3A_333 = tpu.memref_slice %arg9[%dma_start3A_332] : memref<4096xf32, #tpu.memory_space<vmem>> -> memref<1024xf32, #tpu.memory_space<vmem>>
      %dma_start3A_334 = tpu.memref_slice %arg4[%multiple_of3A_331] : memref<13631488xf32, #tpu.memory_space<hbm>> -> memref<1024xf32, #tpu.memory_space<hbm>>
      %dma_start3A_335 = tpu.memref_slice %arg4[%multiple_of3A_331] : memref<13631488xf32, #tpu.memory_space<hbm>> -> memref<1024xf32, #tpu.memory_space<hbm>>
      %dma_start3A_336 = arith.constant 0 : i32
      %dma_start3A_337 = tpu.memref_slice %arg9[%dma_start3A_336] : memref<4096xf32, #tpu.memory_space<vmem>> -> memref<1024xf32, #tpu.memory_space<vmem>>
      tpu.enqueue_dma source(%dma_start3A_337 : memref<1024xf32, #tpu.memory_space<vmem>>) target(%dma_start3A_335 : memref<1024xf32, #tpu.memory_space<hbm>>) target_semaphore(%arg15 : memref<!tpu.dma_semaphore, #tpu.memory_space<semaphore_mem>>)
      %mul3A_338 = arith.constant 4 : i32
      %mul3A_339 = arith.muli %shift_right_arithmetic3A_319, %mul3A_338 : i32
      %add3A_340 = arith.constant 1 : i32
      %add3A_341 = arith.addi %mul3A_339, %add3A_340 : i32
      %mul3A_342 = arith.constant 128 : i32
      %mul3A_343 = arith.muli %add3A_341, %mul3A_342 : i32
      %add3A_344 = arith.addi %mul3A_343, %and3A_321 : i32
      %mul3A_345 = arith.constant 1024 : i32
      %mul3A_346 = arith.muli %add3A_344, %mul3A_345 : i32
      %multiple_of3A_347 = tpu.assume_multiple %mul3A_346, 1024 : i32
      %dma_start3A_348 = arith.constant 1024 : i32
      %dma_start3A_349 = tpu.memref_slice %arg9[%dma_start3A_348] : memref<4096xf32, #tpu.memory_space<vmem>> -> memref<1024xf32, #tpu.memory_space<vmem>>
      %dma_start3A_350 = tpu.memref_slice %arg4[%multiple_of3A_347] : memref<13631488xf32, #tpu.memory_space<hbm>> -> memref<1024xf32, #tpu.memory_space<hbm>>
      %dma_start3A_351 = tpu.memref_slice %arg4[%multiple_of3A_347] : memref<13631488xf32, #tpu.memory_space<hbm>> -> memref<1024xf32, #tpu.memory_space<hbm>>
      %dma_start3A_352 = arith.constant 1024 : i32
      %dma_start3A_353 = tpu.memref_slice %arg9[%dma_start3A_352] : memref<4096xf32, #tpu.memory_space<vmem>> -> memref<1024xf32, #tpu.memory_space<vmem>>
      tpu.enqueue_dma source(%dma_start3A_353 : memref<1024xf32, #tpu.memory_space<vmem>>) target(%dma_start3A_351 : memref<1024xf32, #tpu.memory_space<hbm>>) target_semaphore(%arg15 : memref<!tpu.dma_semaphore, #tpu.memory_space<semaphore_mem>>)
      %mul3A_354 = arith.constant 4 : i32
      %mul3A_355 = arith.muli %shift_right_arithmetic3A_319, %mul3A_354 : i32
      %add3A_356 = arith.constant 2 : i32
      %add3A_357 = arith.addi %mul3A_355, %add3A_356 : i32
      %mul3A_358 = arith.constant 128 : i32
      %mul3A_359 = arith.muli %add3A_357, %mul3A_358 : i32
      %add3A_360 = arith.addi %mul3A_359, %and3A_321 : i32
      %mul3A_361 = arith.constant 1024 : i32
      %mul3A_362 = arith.muli %add3A_360, %mul3A_361 : i32
      %multiple_of3A_363 = tpu.assume_multiple %mul3A_362, 1024 : i32
      %dma_start3A_364 = arith.constant 2048 : i32
      %dma_start3A_365 = tpu.memref_slice %arg9[%dma_start3A_364] : memref<4096xf32, #tpu.memory_space<vmem>> -> memref<1024xf32, #tpu.memory_space<vmem>>
      %dma_start3A_366 = tpu.memref_slice %arg4[%multiple_of3A_363] : memref<13631488xf32, #tpu.memory_space<hbm>> -> memref<1024xf32, #tpu.memory_space<hbm>>
      %dma_start3A_367 = tpu.memref_slice %arg4[%multiple_of3A_363] : memref<13631488xf32, #tpu.memory_space<hbm>> -> memref<1024xf32, #tpu.memory_space<hbm>>
      %dma_start3A_368 = arith.constant 2048 : i32
      %dma_start3A_369 = tpu.memref_slice %arg9[%dma_start3A_368] : memref<4096xf32, #tpu.memory_space<vmem>> -> memref<1024xf32, #tpu.memory_space<vmem>>
      tpu.enqueue_dma source(%dma_start3A_369 : memref<1024xf32, #tpu.memory_space<vmem>>) target(%dma_start3A_367 : memref<1024xf32, #tpu.memory_space<hbm>>) target_semaphore(%arg15 : memref<!tpu.dma_semaphore, #tpu.memory_space<semaphore_mem>>)
      %mul3A_370 = arith.constant 4 : i32
      %mul3A_371 = arith.muli %shift_right_arithmetic3A_319, %mul3A_370 : i32
      %add3A_372 = arith.constant 3 : i32
      %add3A_373 = arith.addi %mul3A_371, %add3A_372 : i32
      %mul3A_374 = arith.constant 128 : i32
      %mul3A_375 = arith.muli %add3A_373, %mul3A_374 : i32
      %add3A_376 = arith.addi %mul3A_375, %and3A_321 : i32
      %mul3A_377 = arith.constant 1024 : i32
      %mul3A_378 = arith.muli %add3A_376, %mul3A_377 : i32
      %multiple_of3A_379 = tpu.assume_multiple %mul3A_378, 1024 : i32
      %dma_start3A_380 = arith.constant 3072 : i32
      %dma_start3A_381 = tpu.memref_slice %arg9[%dma_start3A_380] : memref<4096xf32, #tpu.memory_space<vmem>> -> memref<1024xf32, #tpu.memory_space<vmem>>
      %dma_start3A_382 = tpu.memref_slice %arg4[%multiple_of3A_379] : memref<13631488xf32, #tpu.memory_space<hbm>> -> memref<1024xf32, #tpu.memory_space<hbm>>
      %dma_start3A_383 = tpu.memref_slice %arg4[%multiple_of3A_379] : memref<13631488xf32, #tpu.memory_space<hbm>> -> memref<1024xf32, #tpu.memory_space<hbm>>
      %dma_start3A_384 = arith.constant 3072 : i32
      %dma_start3A_385 = tpu.memref_slice %arg9[%dma_start3A_384] : memref<4096xf32, #tpu.memory_space<vmem>> -> memref<1024xf32, #tpu.memory_space<vmem>>
      tpu.enqueue_dma source(%dma_start3A_385 : memref<1024xf32, #tpu.memory_space<vmem>>) target(%dma_start3A_383 : memref<1024xf32, #tpu.memory_space<hbm>>) target_semaphore(%arg15 : memref<!tpu.dma_semaphore, #tpu.memory_space<semaphore_mem>>)
      %add3A_386 = arith.constant 1 : i32
      %add3A_387 = arith.addi %add3A_293, %add3A_386 : i32
      %lt3A_388 = arith.cmpi slt, %add3A_387, %sub3A_5 : i32
      %convert_element_type3A_389 = arith.extui %lt3A_388 : i1 to i32
      %cond3A_390 = arith.constant 0 : i32
      %cond3A_391 = arith.cmpi ne, %convert_element_type3A_389, %cond3A_390 : i32
      scf.if %cond3A_391 {
        %dma_wait3A_486 = arith.constant 0 : i32
        %dma_wait3A_487 = tpu.memref_slice %arg2[%dma_wait3A_486] : memref<425984xi32, #tpu.memory_space<hbm>> -> memref<128xi32, #tpu.memory_space<hbm>>
        %dma_wait3A_488 = arith.constant 0 : i32
        %dma_wait3A_489 = tpu.memref_slice %arg2[%dma_wait3A_488] : memref<425984xi32, #tpu.memory_space<hbm>> -> memref<128xi32, #tpu.memory_space<hbm>>
        tpu.wait_dma2 semaphore(%arg11 : memref<!tpu.dma_semaphore, #tpu.memory_space<semaphore_mem>>) src(%dma_wait3A_489 : memref<128xi32, #tpu.memory_space<hbm>>) dst(%arg5 : memref<128xi32, #tpu.memory_space<vmem>>)
        %add3A_490 = arith.constant 1 : i32
        %add3A_491 = arith.addi %add3A_387, %add3A_490 : i32
        %shift_right_arithmetic3A_492 = arith.constant 7 : i32
        %shift_right_arithmetic3A_493 = arith.shrsi %add3A_491, %shift_right_arithmetic3A_492 : i32
        %mul3A_494 = arith.constant 100000 : i32
        %mul3A_495 = arith.muli %shift_right_arithmetic3A_493, %mul3A_494 : i32
        %get3A_496 = arith.constant 0 : index
        %get3A_497 = tpu.vector_load %arg5[%get3A_496] {strides = array<i32>} : memref<128xi32, #tpu.memory_space<vmem>>, vector<16xi32>,
        %add3A_498 = vector.broadcast %mul3A_495 : i32 to vector<16xi32>
        %add3A_499 = arith.addi %get3A_497, %add3A_498 : vector<16xi32>
        %and3A_500 = arith.constant -8192 : i32
        %and3A_501 = vector.broadcast %and3A_500 : i32 to vector<16xi32>
        %and3A_502 = arith.andi %add3A_499, %and3A_501 : vector<16xi32>
        %and3A_503 = arith.constant 2047 : i32
        %and3A_504 = vector.broadcast %and3A_503 : i32 to vector<16xi32>
        %and3A_505 = arith.andi %add3A_499, %and3A_504 : vector<16xi32>
        %shift_left3A_506 = arith.constant 2 : i32
        %shift_left3A_507 = vector.broadcast %shift_left3A_506 : i32 to vector<16xi32>
        %shift_left3A_508 = arith.shli %and3A_505, %shift_left3A_507 : vector<16xi32>
        %add3A_509 = arith.addi %and3A_502, %shift_left3A_508 : vector<16xi32>
        %and3A_510 = arith.constant 8191 : i32
        %and3A_511 = vector.broadcast %and3A_510 : i32 to vector<16xi32>
        %and3A_512 = arith.andi %add3A_499, %and3A_511 : vector<16xi32>
        %shift_right_arithmetic3A_513 = arith.constant 11 : i32
        %shift_right_arithmetic3A_514 = vector.broadcast %shift_right_arithmetic3A_513 : i32 to vector<16xi32>
        %shift_right_arithmetic3A_515 = arith.shrsi %and3A_512, %shift_right_arithmetic3A_514 : vector<16xi32>
        %add3A_516 = arith.addi %add3A_509, %shift_right_arithmetic3A_515 : vector<16xi32>
        %swap3A_517 = arith.constant 0 : index
        %swap3A_518 = tpu.vector_load %arg5[%swap3A_517] {strides = array<i32>} : memref<128xi32, #tpu.memory_space<vmem>>, vector<16xi32>,
        tpu.vector_store %arg5[%swap3A_517], %add3A_516 {strides = array<i32>} : memref<128xi32, #tpu.memory_space<vmem>>, vector<16xi32>,
        %get3A_519 = arith.constant 16 : index
        %get3A_520 = tpu.vector_load %arg5[%get3A_519] {strides = array<i32>} : memref<128xi32, #tpu.memory_space<vmem>>, vector<16xi32>,
        %add3A_521 = vector.broadcast %mul3A_495 : i32 to vector<16xi32>
        %add3A_522 = arith.addi %get3A_520, %add3A_521 : vector<16xi32>
        %and3A_523 = arith.constant -8192 : i32
        %and3A_524 = vector.broadcast %and3A_523 : i32 to vector<16xi32>
        %and3A_525 = arith.andi %add3A_522, %and3A_524 : vector<16xi32>
        %and3A_526 = arith.constant 2047 : i32
        %and3A_527 = vector.broadcast %and3A_526 : i32 to vector<16xi32>
        %and3A_528 = arith.andi %add3A_522, %and3A_527 : vector<16xi32>
        %shift_left3A_529 = arith.constant 2 : i32
        %shift_left3A_530 = vector.broadcast %shift_left3A_529 : i32 to vector<16xi32>
        %shift_left3A_531 = arith.shli %and3A_528, %shift_left3A_530 : vector<16xi32>
        %add3A_532 = arith.addi %and3A_525, %shift_left3A_531 : vector<16xi32>
        %and3A_533 = arith.constant 8191 : i32
        %and3A_534 = vector.broadcast %and3A_533 : i32 to vector<16xi32>
        %and3A_535 = arith.andi %add3A_522, %and3A_534 : vector<16xi32>
        %shift_right_arithmetic3A_536 = arith.constant 11 : i32
        %shift_right_arithmetic3A_537 = vector.broadcast %shift_right_arithmetic3A_536 : i32 to vector<16xi32>
        %shift_right_arithmetic3A_538 = arith.shrsi %and3A_535, %shift_right_arithmetic3A_537 : vector<16xi32>
        %add3A_539 = arith.addi %add3A_532, %shift_right_arithmetic3A_538 : vector<16xi32>
        %swap3A_540 = arith.constant 16 : index
        %swap3A_541 = tpu.vector_load %arg5[%swap3A_540] {strides = array<i32>} : memref<128xi32, #tpu.memory_space<vmem>>, vector<16xi32>,
        tpu.vector_store %arg5[%swap3A_540], %add3A_539 {strides = array<i32>} : memref<128xi32, #tpu.memory_space<vmem>>, vector<16xi32>,
        %get3A_542 = arith.constant 32 : index
        %get3A_543 = tpu.vector_load %arg5[%get3A_542] {strides = array<i32>} : memref<128xi32, #tpu.memory_space<vmem>>, vector<16xi32>,
        %add3A_544 = vector.broadcast %mul3A_495 : i32 to vector<16xi32>
        %add3A_545 = arith.addi %get3A_543, %add3A_544 : vector<16xi32>
        %and3A_546 = arith.constant -8192 : i32
        %and3A_547 = vector.broadcast %and3A_546 : i32 to vector<16xi32>
        %and3A_548 = arith.andi %add3A_545, %and3A_547 : vector<16xi32>
        %and3A_549 = arith.constant 2047 : i32
        %and3A_550 = vector.broadcast %and3A_549 : i32 to vector<16xi32>
        %and3A_551 = arith.andi %add3A_545, %and3A_550 : vector<16xi32>
        %shift_left3A_552 = arith.constant 2 : i32
        %shift_left3A_553 = vector.broadcast %shift_left3A_552 : i32 to vector<16xi32>
        %shift_left3A_554 = arith.shli %and3A_551, %shift_left3A_553 : vector<16xi32>
        %add3A_555 = arith.addi %and3A_548, %shift_left3A_554 : vector<16xi32>
        %and3A_556 = arith.constant 8191 : i32
        %and3A_557 = vector.broadcast %and3A_556 : i32 to vector<16xi32>
        %and3A_558 = arith.andi %add3A_545, %and3A_557 : vector<16xi32>
        %shift_right_arithmetic3A_559 = arith.constant 11 : i32
        %shift_right_arithmetic3A_560 = vector.broadcast %shift_right_arithmetic3A_559 : i32 to vector<16xi32>
        %shift_right_arithmetic3A_561 = arith.shrsi %and3A_558, %shift_right_arithmetic3A_560 : vector<16xi32>
        %add3A_562 = arith.addi %add3A_555, %shift_right_arithmetic3A_561 : vector<16xi32>
        %swap3A_563 = arith.constant 32 : index
        %swap3A_564 = tpu.vector_load %arg5[%swap3A_563] {strides = array<i32>} : memref<128xi32, #tpu.memory_space<vmem>>, vector<16xi32>,
        tpu.vector_store %arg5[%swap3A_563], %add3A_562 {strides = array<i32>} : memref<128xi32, #tpu.memory_space<vmem>>, vector<16xi32>,
        %get3A_565 = arith.constant 48 : index
        %get3A_566 = tpu.vector_load %arg5[%get3A_565] {strides = array<i32>} : memref<128xi32, #tpu.memory_space<vmem>>, vector<16xi32>,
        %add3A_567 = vector.broadcast %mul3A_495 : i32 to vector<16xi32>
        %add3A_568 = arith.addi %get3A_566, %add3A_567 : vector<16xi32>
        %and3A_569 = arith.constant -8192 : i32
        %and3A_570 = vector.broadcast %and3A_569 : i32 to vector<16xi32>
        %and3A_571 = arith.andi %add3A_568, %and3A_570 : vector<16xi32>
        %and3A_572 = arith.constant 2047 : i32
        %and3A_573 = vector.broadcast %and3A_572 : i32 to vector<16xi32>
        %and3A_574 = arith.andi %add3A_568, %and3A_573 : vector<16xi32>
        %shift_left3A_575 = arith.constant 2 : i32
        %shift_left3A_576 = vector.broadcast %shift_left3A_575 : i32 to vector<16xi32>
        %shift_left3A_577 = arith.shli %and3A_574, %shift_left3A_576 : vector<16xi32>
        %add3A_578 = arith.addi %and3A_571, %shift_left3A_577 : vector<16xi32>
        %and3A_579 = arith.constant 8191 : i32
        %and3A_580 = vector.broadcast %and3A_579 : i32 to vector<16xi32>
        %and3A_581 = arith.andi %add3A_568, %and3A_580 : vector<16xi32>
        %shift_right_arithmetic3A_582 = arith.constant 11 : i32
        %shift_right_arithmetic3A_583 = vector.broadcast %shift_right_arithmetic3A_582 : i32 to vector<16xi32>
        %shift_right_arithmetic3A_584 = arith.shrsi %and3A_581, %shift_right_arithmetic3A_583 : vector<16xi32>
        %add3A_585 = arith.addi %add3A_578, %shift_right_arithmetic3A_584 : vector<16xi32>
        %swap3A_586 = arith.constant 48 : index
        %swap3A_587 = tpu.vector_load %arg5[%swap3A_586] {strides = array<i32>} : memref<128xi32, #tpu.memory_space<vmem>>, vector<16xi32>,
        tpu.vector_store %arg5[%swap3A_586], %add3A_585 {strides = array<i32>} : memref<128xi32, #tpu.memory_space<vmem>>, vector<16xi32>,
        %get3A_588 = arith.constant 64 : index
        %get3A_589 = tpu.vector_load %arg5[%get3A_588] {strides = array<i32>} : memref<128xi32, #tpu.memory_space<vmem>>, vector<16xi32>,
        %add3A_590 = vector.broadcast %mul3A_495 : i32 to vector<16xi32>
        %add3A_591 = arith.addi %get3A_589, %add3A_590 : vector<16xi32>
        %and3A_592 = arith.constant -8192 : i32
        %and3A_593 = vector.broadcast %and3A_592 : i32 to vector<16xi32>
        %and3A_594 = arith.andi %add3A_591, %and3A_593 : vector<16xi32>
        %and3A_595 = arith.constant 2047 : i32
        %and3A_596 = vector.broadcast %and3A_595 : i32 to vector<16xi32>
        %and3A_597 = arith.andi %add3A_591, %and3A_596 : vector<16xi32>
        %shift_left3A_598 = arith.constant 2 : i32
        %shift_left3A_599 = vector.broadcast %shift_left3A_598 : i32 to vector<16xi32>
        %shift_left3A_600 = arith.shli %and3A_597, %shift_left3A_599 : vector<16xi32>
        %add3A_601 = arith.addi %and3A_594, %shift_left3A_600 : vector<16xi32>
        %and3A_602 = arith.constant 8191 : i32
        %and3A_603 = vector.broadcast %and3A_602 : i32 to vector<16xi32>
        %and3A_604 = arith.andi %add3A_591, %and3A_603 : vector<16xi32>
        %shift_right_arithmetic3A_605 = arith.constant 11 : i32
        %shift_right_arithmetic3A_606 = vector.broadcast %shift_right_arithmetic3A_605 : i32 to vector<16xi32>
        %shift_right_arithmetic3A_607 = arith.shrsi %and3A_604, %shift_right_arithmetic3A_606 : vector<16xi32>
        %add3A_608 = arith.addi %add3A_601, %shift_right_arithmetic3A_607 : vector<16xi32>
        %swap3A_609 = arith.constant 64 : index
        %swap3A_610 = tpu.vector_load %arg5[%swap3A_609] {strides = array<i32>} : memref<128xi32, #tpu.memory_space<vmem>>, vector<16xi32>,
        tpu.vector_store %arg5[%swap3A_609], %add3A_608 {strides = array<i32>} : memref<128xi32, #tpu.memory_space<vmem>>, vector<16xi32>,
        %get3A_611 = arith.constant 80 : index
        %get3A_612 = tpu.vector_load %arg5[%get3A_611] {strides = array<i32>} : memref<128xi32, #tpu.memory_space<vmem>>, vector<16xi32>,
        %add3A_613 = vector.broadcast %mul3A_495 : i32 to vector<16xi32>
        %add3A_614 = arith.addi %get3A_612, %add3A_613 : vector<16xi32>
        %and3A_615 = arith.constant -8192 : i32
        %and3A_616 = vector.broadcast %and3A_615 : i32 to vector<16xi32>
        %and3A_617 = arith.andi %add3A_614, %and3A_616 : vector<16xi32>
        %and3A_618 = arith.constant 2047 : i32
        %and3A_619 = vector.broadcast %and3A_618 : i32 to vector<16xi32>
        %and3A_620 = arith.andi %add3A_614, %and3A_619 : vector<16xi32>
        %shift_left3A_621 = arith.constant 2 : i32
        %shift_left3A_622 = vector.broadcast %shift_left3A_621 : i32 to vector<16xi32>
        %shift_left3A_623 = arith.shli %and3A_620, %shift_left3A_622 : vector<16xi32>
        %add3A_624 = arith.addi %and3A_617, %shift_left3A_623 : vector<16xi32>
        %and3A_625 = arith.constant 8191 : i32
        %and3A_626 = vector.broadcast %and3A_625 : i32 to vector<16xi32>
        %and3A_627 = arith.andi %add3A_614, %and3A_626 : vector<16xi32>
        %shift_right_arithmetic3A_628 = arith.constant 11 : i32
        %shift_right_arithmetic3A_629 = vector.broadcast %shift_right_arithmetic3A_628 : i32 to vector<16xi32>
        %shift_right_arithmetic3A_630 = arith.shrsi %and3A_627, %shift_right_arithmetic3A_629 : vector<16xi32>
        %add3A_631 = arith.addi %add3A_624, %shift_right_arithmetic3A_630 : vector<16xi32>
        %swap3A_632 = arith.constant 80 : index
        %swap3A_633 = tpu.vector_load %arg5[%swap3A_632] {strides = array<i32>} : memref<128xi32, #tpu.memory_space<vmem>>, vector<16xi32>,
        tpu.vector_store %arg5[%swap3A_632], %add3A_631 {strides = array<i32>} : memref<128xi32, #tpu.memory_space<vmem>>, vector<16xi32>,
        %get3A_634 = arith.constant 96 : index
        %get3A_635 = tpu.vector_load %arg5[%get3A_634] {strides = array<i32>} : memref<128xi32, #tpu.memory_space<vmem>>, vector<16xi32>,
        %add3A_636 = vector.broadcast %mul3A_495 : i32 to vector<16xi32>
        %add3A_637 = arith.addi %get3A_635, %add3A_636 : vector<16xi32>
        %and3A_638 = arith.constant -8192 : i32
        %and3A_639 = vector.broadcast %and3A_638 : i32 to vector<16xi32>
        %and3A_640 = arith.andi %add3A_637, %and3A_639 : vector<16xi32>
        %and3A_641 = arith.constant 2047 : i32
        %and3A_642 = vector.broadcast %and3A_641 : i32 to vector<16xi32>
        %and3A_643 = arith.andi %add3A_637, %and3A_642 : vector<16xi32>
        %shift_left3A_644 = arith.constant 2 : i32
        %shift_left3A_645 = vector.broadcast %shift_left3A_644 : i32 to vector<16xi32>
        %shift_left3A_646 = arith.shli %and3A_643, %shift_left3A_645 : vector<16xi32>
        %add3A_647 = arith.addi %and3A_640, %shift_left3A_646 : vector<16xi32>
        %and3A_648 = arith.constant 8191 : i32
        %and3A_649 = vector.broadcast %and3A_648 : i32 to vector<16xi32>
        %and3A_650 = arith.andi %add3A_637, %and3A_649 : vector<16xi32>
        %shift_right_arithmetic3A_651 = arith.constant 11 : i32
        %shift_right_arithmetic3A_652 = vector.broadcast %shift_right_arithmetic3A_651 : i32 to vector<16xi32>
        %shift_right_arithmetic3A_653 = arith.shrsi %and3A_650, %shift_right_arithmetic3A_652 : vector<16xi32>
        %add3A_654 = arith.addi %add3A_647, %shift_right_arithmetic3A_653 : vector<16xi32>
        %swap3A_655 = arith.constant 96 : index
        %swap3A_656 = tpu.vector_load %arg5[%swap3A_655] {strides = array<i32>} : memref<128xi32, #tpu.memory_space<vmem>>, vector<16xi32>,
        tpu.vector_store %arg5[%swap3A_655], %add3A_654 {strides = array<i32>} : memref<128xi32, #tpu.memory_space<vmem>>, vector<16xi32>,
        %get3A_657 = arith.constant 112 : index
        %get3A_658 = tpu.vector_load %arg5[%get3A_657] {strides = array<i32>} : memref<128xi32, #tpu.memory_space<vmem>>, vector<16xi32>,
        %add3A_659 = vector.broadcast %mul3A_495 : i32 to vector<16xi32>
        %add3A_660 = arith.addi %get3A_658, %add3A_659 : vector<16xi32>
        %and3A_661 = arith.constant -8192 : i32
        %and3A_662 = vector.broadcast %and3A_661 : i32 to vector<16xi32>
        %and3A_663 = arith.andi %add3A_660, %and3A_662 : vector<16xi32>
        %and3A_664 = arith.constant 2047 : i32
        %and3A_665 = vector.broadcast %and3A_664 : i32 to vector<16xi32>
        %and3A_666 = arith.andi %add3A_660, %and3A_665 : vector<16xi32>
        %shift_left3A_667 = arith.constant 2 : i32
        %shift_left3A_668 = vector.broadcast %shift_left3A_667 : i32 to vector<16xi32>
        %shift_left3A_669 = arith.shli %and3A_666, %shift_left3A_668 : vector<16xi32>
        %add3A_670 = arith.addi %and3A_663, %shift_left3A_669 : vector<16xi32>
        %and3A_671 = arith.constant 8191 : i32
        %and3A_672 = vector.broadcast %and3A_671 : i32 to vector<16xi32>
        %and3A_673 = arith.andi %add3A_660, %and3A_672 : vector<16xi32>
        %shift_right_arithmetic3A_674 = arith.constant 11 : i32
        %shift_right_arithmetic3A_675 = vector.broadcast %shift_right_arithmetic3A_674 : i32 to vector<16xi32>
        %shift_right_arithmetic3A_676 = arith.shrsi %and3A_673, %shift_right_arithmetic3A_675 : vector<16xi32>
        %add3A_677 = arith.addi %add3A_670, %shift_right_arithmetic3A_676 : vector<16xi32>
        %swap3A_678 = arith.constant 112 : index
        %swap3A_679 = tpu.vector_load %arg5[%swap3A_678] {strides = array<i32>} : memref<128xi32, #tpu.memory_space<vmem>>, vector<16xi32>,
        tpu.vector_store %arg5[%swap3A_678], %add3A_677 {strides = array<i32>} : memref<128xi32, #tpu.memory_space<vmem>>, vector<16xi32>,
        %dma_start3A_680 = arith.constant 0 : i32
        %dma_start3A_681 = arith.constant 0 : i32
        %dma_start3A_682 = tpu.memref_slice %arg3[%dma_start3A_680, %dma_start3A_681] : memref<2605056x32xf32, #tpu.memory_space<hbm>> -> memref<2605056x32xf32, #tpu.memory_space<hbm>>
        tpu.enqueue_indirect_dma source(%dma_start3A_682 : memref<2605056x32xf32, #tpu.memory_space<hbm>>) target(%arg7 : memref<128x32xf32, #tpu.memory_space<vmem>>) offsets(%arg5 : memref<128xi32, #tpu.memory_space<vmem>>) semaphore(%arg13 : memref<!tpu.dma_semaphore, #tpu.memory_space<semaphore_mem>>)
      } else {
      }
      %dma_wait3A_392 = arith.constant 0 : i32
      %dma_wait3A_393 = arith.constant 0 : i32
      %dma_wait3A_394 = tpu.memref_slice %arg3[%dma_wait3A_392, %dma_wait3A_393] : memref<2605056x32xf32, #tpu.memory_space<hbm>> -> memref<128x32xf32, #tpu.memory_space<hbm>>
      %dma_wait3A_395 = arith.constant 0 : i32
      %dma_wait3A_396 = arith.constant 0 : i32
      %dma_wait3A_397 = tpu.memref_slice %arg3[%dma_wait3A_395, %dma_wait3A_396] : memref<2605056x32xf32, #tpu.memory_space<hbm>> -> memref<128x32xf32, #tpu.memory_space<hbm>>
      tpu.wait_dma2 semaphore(%arg14 : memref<!tpu.dma_semaphore, #tpu.memory_space<semaphore_mem>>) src(%dma_wait3A_397 : memref<128x32xf32, #tpu.memory_space<hbm>>) dst(%arg8 : memref<128x32xf32, #tpu.memory_space<vmem>>)
      %add3A_398 = arith.constant 2 : i32
      %add3A_399 = arith.addi %add3A_387, %add3A_398 : i32
      %le3A_400 = arith.cmpi sle, %add3A_399, %sub3A_5 : i32
      %convert_element_type3A_401 = arith.extui %le3A_400 : i1 to i32
      %cond3A_402 = arith.constant 0 : i32
      %cond3A_403 = arith.cmpi ne, %convert_element_type3A_401, %cond3A_402 : i32
      scf.if %cond3A_403 {
        %add3A_486 = arith.constant 2 : i32
        %add3A_487 = arith.addi %add3A_387, %add3A_486 : i32
        %shift_right_arithmetic3A_488 = arith.constant 7 : i32
        %shift_right_arithmetic3A_489 = arith.shrsi %add3A_487, %shift_right_arithmetic3A_488 : i32
        %shift_left3A_490 = arith.constant 14 : i32
        %shift_left3A_491 = arith.shli %shift_right_arithmetic3A_489, %shift_left3A_490 : i32
        %and3A_492 = arith.constant 127 : i32
        %and3A_493 = arith.andi %add3A_487, %and3A_492 : i32
        %shift_left3A_494 = arith.constant 7 : i32
        %shift_left3A_495 = arith.shli %and3A_493, %shift_left3A_494 : i32
        %add3A_496 = arith.addi %shift_left3A_491, %shift_left3A_495 : i32
        %multiple_of3A_497 = tpu.assume_multiple %add3A_496, 128 : i32
        %dma_start3A_498 = tpu.memref_slice %arg2[%multiple_of3A_497] : memref<425984xi32, #tpu.memory_space<hbm>> -> memref<128xi32, #tpu.memory_space<hbm>>
        %dma_start3A_499 = tpu.memref_slice %arg2[%multiple_of3A_497] : memref<425984xi32, #tpu.memory_space<hbm>> -> memref<128xi32, #tpu.memory_space<hbm>>
        tpu.enqueue_dma source(%dma_start3A_499 : memref<128xi32, #tpu.memory_space<hbm>>) target(%arg6 : memref<128xi32, #tpu.memory_space<vmem>>) target_semaphore(%arg12 : memref<!tpu.dma_semaphore, #tpu.memory_space<semaphore_mem>>)
      } else {
      }
      %add3A_404 = arith.constant 2 : i32
      %add3A_405 = arith.addi %mul3A_2, %add3A_404 : i32
      %ge3A_406 = arith.cmpi sge, %add3A_387, %add3A_405 : i32
      %convert_element_type3A_407 = arith.extui %ge3A_406 : i1 to i32
      %cond3A_408 = arith.constant 0 : i32
      %cond3A_409 = arith.cmpi ne, %convert_element_type3A_407, %cond3A_408 : i32
      scf.if %cond3A_409 {
        %dma_wait3A_486 = arith.constant 0 : i32
        %dma_wait3A_487 = tpu.memref_slice %arg10[%dma_wait3A_486] : memref<4096xf32, #tpu.memory_space<vmem>> -> memref<1024xf32, #tpu.memory_space<vmem>>
        %dma_wait3A_488 = arith.constant 0 : i32
        %dma_wait3A_489 = tpu.memref_slice %arg4[%dma_wait3A_488] : memref<13631488xf32, #tpu.memory_space<hbm>> -> memref<1024xf32, #tpu.memory_space<hbm>>
        %dma_wait3A_490 = arith.constant 0 : i32
        %dma_wait3A_491 = tpu.memref_slice %arg10[%dma_wait3A_490] : memref<4096xf32, #tpu.memory_space<vmem>> -> memref<1024xf32, #tpu.memory_space<vmem>>
        %dma_wait3A_492 = arith.constant 0 : i32
        %dma_wait3A_493 = tpu.memref_slice %arg4[%dma_wait3A_492] : memref<13631488xf32, #tpu.memory_space<hbm>> -> memref<1024xf32, #tpu.memory_space<hbm>>
        tpu.wait_dma2 semaphore(%arg16 : memref<!tpu.dma_semaphore, #tpu.memory_space<semaphore_mem>>) src(%dma_wait3A_493 : memref<1024xf32, #tpu.memory_space<hbm>>) dst(%dma_wait3A_491 : memref<1024xf32, #tpu.memory_space<vmem>>)
        %dma_wait3A_494 = arith.constant 1024 : i32
        %dma_wait3A_495 = tpu.memref_slice %arg10[%dma_wait3A_494] : memref<4096xf32, #tpu.memory_space<vmem>> -> memref<1024xf32, #tpu.memory_space<vmem>>
        %dma_wait3A_496 = arith.constant 1024 : i32
        %dma_wait3A_497 = tpu.memref_slice %arg4[%dma_wait3A_496] : memref<13631488xf32, #tpu.memory_space<hbm>> -> memref<1024xf32, #tpu.memory_space<hbm>>
        %dma_wait3A_498 = arith.constant 1024 : i32
        %dma_wait3A_499 = tpu.memref_slice %arg10[%dma_wait3A_498] : memref<4096xf32, #tpu.memory_space<vmem>> -> memref<1024xf32, #tpu.memory_space<vmem>>
        %dma_wait3A_500 = arith.constant 1024 : i32
        %dma_wait3A_501 = tpu.memref_slice %arg4[%dma_wait3A_500] : memref<13631488xf32, #tpu.memory_space<hbm>> -> memref<1024xf32, #tpu.memory_space<hbm>>
        tpu.wait_dma2 semaphore(%arg16 : memref<!tpu.dma_semaphore, #tpu.memory_space<semaphore_mem>>) src(%dma_wait3A_501 : memref<1024xf32, #tpu.memory_space<hbm>>) dst(%dma_wait3A_499 : memref<1024xf32, #tpu.memory_space<vmem>>)
        %dma_wait3A_502 = arith.constant 2048 : i32
        %dma_wait3A_503 = tpu.memref_slice %arg10[%dma_wait3A_502] : memref<4096xf32, #tpu.memory_space<vmem>> -> memref<1024xf32, #tpu.memory_space<vmem>>
        %dma_wait3A_504 = arith.constant 2048 : i32
        %dma_wait3A_505 = tpu.memref_slice %arg4[%dma_wait3A_504] : memref<13631488xf32, #tpu.memory_space<hbm>> -> memref<1024xf32, #tpu.memory_space<hbm>>
        %dma_wait3A_506 = arith.constant 2048 : i32
        %dma_wait3A_507 = tpu.memref_slice %arg10[%dma_wait3A_506] : memref<4096xf32, #tpu.memory_space<vmem>> -> memref<1024xf32, #tpu.memory_space<vmem>>
        %dma_wait3A_508 = arith.constant 2048 : i32
        %dma_wait3A_509 = tpu.memref_slice %arg4[%dma_wait3A_508] : memref<13631488xf32, #tpu.memory_space<hbm>> -> memref<1024xf32, #tpu.memory_space<hbm>>
        tpu.wait_dma2 semaphore(%arg16 : memref<!tpu.dma_semaphore, #tpu.memory_space<semaphore_mem>>) src(%dma_wait3A_509 : memref<1024xf32, #tpu.memory_space<hbm>>) dst(%dma_wait3A_507 : memref<1024xf32, #tpu.memory_space<vmem>>)
        %dma_wait3A_510 = arith.constant 3072 : i32
        %dma_wait3A_511 = tpu.memref_slice %arg10[%dma_wait3A_510] : memref<4096xf32, #tpu.memory_space<vmem>> -> memref<1024xf32, #tpu.memory_space<vmem>>
        %dma_wait3A_512 = arith.constant 3072 : i32
        %dma_wait3A_513 = tpu.memref_slice %arg4[%dma_wait3A_512] : memref<13631488xf32, #tpu.memory_space<hbm>> -> memref<1024xf32, #tpu.memory_space<hbm>>
        %dma_wait3A_514 = arith.constant 3072 : i32
        %dma_wait3A_515 = tpu.memref_slice %arg10[%dma_wait3A_514] : memref<4096xf32, #tpu.memory_space<vmem>> -> memref<1024xf32, #tpu.memory_space<vmem>>
        %dma_wait3A_516 = arith.constant 3072 : i32
        %dma_wait3A_517 = tpu.memref_slice %arg4[%dma_wait3A_516] : memref<13631488xf32, #tpu.memory_space<hbm>> -> memref<1024xf32, #tpu.memory_space<hbm>>
        tpu.wait_dma2 semaphore(%arg16 : memref<!tpu.dma_semaphore, #tpu.memory_space<semaphore_mem>>) src(%dma_wait3A_517 : memref<1024xf32, #tpu.memory_space<hbm>>) dst(%dma_wait3A_515 : memref<1024xf32, #tpu.memory_space<vmem>>)
      } else {
      }
      %scan3A_410 = arith.constant 0 : i32
      %scan3A_411 = arith.constant 0 : i32
      %scan3A_412 = arith.constant 32 : i32
      %scan3A_413 = arith.addi %scan3A_411, %scan3A_412 : i32
      %scan3A_414 = arith.constant 1 : i32
      %scan3A_415 = scf.for %scan3A_486 = %scan3A_411 to %scan3A_413 step %scan3A_414 iter_args(%scan3A_487 = %scan3A_410) -> (i32)  : i32 {
        %broadcast_in_dim3A = vector.broadcast %scan3A_486 : i32 to vector<16xi32>
        %mul3A_488 = arith.constant 128 : i32
        %mul3A_489 = arith.muli %scan3A_486, %mul3A_488 : i32
        %multiple_of3A_490 = tpu.assume_multiple %mul3A_489, 128 : i32
        %add3A_491 = arith.constant 0 : i32
        %add3A_492 = vector.broadcast %add3A_491 : i32 to vector<16xi32>
        %add3A_493 = arith.addi %iota3A, %add3A_492 : vector<16xi32>
        %gather3A = tpu.vector_load_idx %arg8[%add3A_493, %broadcast_in_dim3A] : memref<128x32xf32, #tpu.memory_space<vmem>>[vector<16xi32>, vector<16xi32>], vector<16xf32>,
        %add3A_494 = arith.constant 0 : i32
        %add3A_495 = arith.addi %multiple_of3A_490, %add3A_494 : i32
        %swap3A_496 = arith.index_cast %add3A_495 : i32 to index
        %swap3A_497 = tpu.vector_load %arg10[%swap3A_496] {strides = array<i32>} : memref<4096xf32, #tpu.memory_space<vmem>>, vector<16xf32>,
        tpu.vector_store %arg10[%swap3A_496], %gather3A {strides = array<i32>} : memref<4096xf32, #tpu.memory_space<vmem>>, vector<16xf32>,
        %add3A_498 = arith.constant 16 : i32
        %add3A_499 = vector.broadcast %add3A_498 : i32 to vector<16xi32>
        %add3A_500 = arith.addi %iota3A, %add3A_499 : vector<16xi32>
        %gather3A_501 = tpu.vector_load_idx %arg8[%add3A_500, %broadcast_in_dim3A] : memref<128x32xf32, #tpu.memory_space<vmem>>[vector<16xi32>, vector<16xi32>], vector<16xf32>,
        %add3A_502 = arith.constant 16 : i32
        %add3A_503 = arith.addi %multiple_of3A_490, %add3A_502 : i32
        %swap3A_504 = arith.index_cast %add3A_503 : i32 to index
        %swap3A_505 = tpu.vector_load %arg10[%swap3A_504] {strides = array<i32>} : memref<4096xf32, #tpu.memory_space<vmem>>, vector<16xf32>,
        tpu.vector_store %arg10[%swap3A_504], %gather3A_501 {strides = array<i32>} : memref<4096xf32, #tpu.memory_space<vmem>>, vector<16xf32>,
        %add3A_506 = arith.constant 32 : i32
        %add3A_507 = vector.broadcast %add3A_506 : i32 to vector<16xi32>
        %add3A_508 = arith.addi %iota3A, %add3A_507 : vector<16xi32>
        %gather3A_509 = tpu.vector_load_idx %arg8[%add3A_508, %broadcast_in_dim3A] : memref<128x32xf32, #tpu.memory_space<vmem>>[vector<16xi32>, vector<16xi32>], vector<16xf32>,
        %add3A_510 = arith.constant 32 : i32
        %add3A_511 = arith.addi %multiple_of3A_490, %add3A_510 : i32
        %swap3A_512 = arith.index_cast %add3A_511 : i32 to index
        %swap3A_513 = tpu.vector_load %arg10[%swap3A_512] {strides = array<i32>} : memref<4096xf32, #tpu.memory_space<vmem>>, vector<16xf32>,
        tpu.vector_store %arg10[%swap3A_512], %gather3A_509 {strides = array<i32>} : memref<4096xf32, #tpu.memory_space<vmem>>, vector<16xf32>,
        %add3A_514 = arith.constant 48 : i32
        %add3A_515 = vector.broadcast %add3A_514 : i32 to vector<16xi32>
        %add3A_516 = arith.addi %iota3A, %add3A_515 : vector<16xi32>
        %gather3A_517 = tpu.vector_load_idx %arg8[%add3A_516, %broadcast_in_dim3A] : memref<128x32xf32, #tpu.memory_space<vmem>>[vector<16xi32>, vector<16xi32>], vector<16xf32>,
        %add3A_518 = arith.constant 48 : i32
        %add3A_519 = arith.addi %multiple_of3A_490, %add3A_518 : i32
        %swap3A_520 = arith.index_cast %add3A_519 : i32 to index
        %swap3A_521 = tpu.vector_load %arg10[%swap3A_520] {strides = array<i32>} : memref<4096xf32, #tpu.memory_space<vmem>>, vector<16xf32>,
        tpu.vector_store %arg10[%swap3A_520], %gather3A_517 {strides = array<i32>} : memref<4096xf32, #tpu.memory_space<vmem>>, vector<16xf32>,
        %add3A_522 = arith.constant 64 : i32
        %add3A_523 = vector.broadcast %add3A_522 : i32 to vector<16xi32>
        %add3A_524 = arith.addi %iota3A, %add3A_523 : vector<16xi32>
        %gather3A_525 = tpu.vector_load_idx %arg8[%add3A_524, %broadcast_in_dim3A] : memref<128x32xf32, #tpu.memory_space<vmem>>[vector<16xi32>, vector<16xi32>], vector<16xf32>,
        %add3A_526 = arith.constant 64 : i32
        %add3A_527 = arith.addi %multiple_of3A_490, %add3A_526 : i32
        %swap3A_528 = arith.index_cast %add3A_527 : i32 to index
        %swap3A_529 = tpu.vector_load %arg10[%swap3A_528] {strides = array<i32>} : memref<4096xf32, #tpu.memory_space<vmem>>, vector<16xf32>,
        tpu.vector_store %arg10[%swap3A_528], %gather3A_525 {strides = array<i32>} : memref<4096xf32, #tpu.memory_space<vmem>>, vector<16xf32>,
        %add3A_530 = arith.constant 80 : i32
        %add3A_531 = vector.broadcast %add3A_530 : i32 to vector<16xi32>
        %add3A_532 = arith.addi %iota3A, %add3A_531 : vector<16xi32>
        %gather3A_533 = tpu.vector_load_idx %arg8[%add3A_532, %broadcast_in_dim3A] : memref<128x32xf32, #tpu.memory_space<vmem>>[vector<16xi32>, vector<16xi32>], vector<16xf32>,
        %add3A_534 = arith.constant 80 : i32
        %add3A_535 = arith.addi %multiple_of3A_490, %add3A_534 : i32
        %swap3A_536 = arith.index_cast %add3A_535 : i32 to index
        %swap3A_537 = tpu.vector_load %arg10[%swap3A_536] {strides = array<i32>} : memref<4096xf32, #tpu.memory_space<vmem>>, vector<16xf32>,
        tpu.vector_store %arg10[%swap3A_536], %gather3A_533 {strides = array<i32>} : memref<4096xf32, #tpu.memory_space<vmem>>, vector<16xf32>,
        %add3A_538 = arith.constant 96 : i32
        %add3A_539 = vector.broadcast %add3A_538 : i32 to vector<16xi32>
        %add3A_540 = arith.addi %iota3A, %add3A_539 : vector<16xi32>
        %gather3A_541 = tpu.vector_load_idx %arg8[%add3A_540, %broadcast_in_dim3A] : memref<128x32xf32, #tpu.memory_space<vmem>>[vector<16xi32>, vector<16xi32>], vector<16xf32>,
        %add3A_542 = arith.constant 96 : i32
        %add3A_543 = arith.addi %multiple_of3A_490, %add3A_542 : i32
        %swap3A_544 = arith.index_cast %add3A_543 : i32 to index
        %swap3A_545 = tpu.vector_load %arg10[%swap3A_544] {strides = array<i32>} : memref<4096xf32, #tpu.memory_space<vmem>>, vector<16xf32>,
        tpu.vector_store %arg10[%swap3A_544], %gather3A_541 {strides = array<i32>} : memref<4096xf32, #tpu.memory_space<vmem>>, vector<16xf32>,
        %add3A_546 = arith.constant 112 : i32
        %add3A_547 = vector.broadcast %add3A_546 : i32 to vector<16xi32>
        %add3A_548 = arith.addi %iota3A, %add3A_547 : vector<16xi32>
        %gather3A_549 = tpu.vector_load_idx %arg8[%add3A_548, %broadcast_in_dim3A] : memref<128x32xf32, #tpu.memory_space<vmem>>[vector<16xi32>, vector<16xi32>], vector<16xf32>,
        %add3A_550 = arith.constant 112 : i32
        %add3A_551 = arith.addi %multiple_of3A_490, %add3A_550 : i32
        %swap3A_552 = arith.index_cast %add3A_551 : i32 to index
        %swap3A_553 = tpu.vector_load %arg10[%swap3A_552] {strides = array<i32>} : memref<4096xf32, #tpu.memory_space<vmem>>, vector<16xf32>,
        tpu.vector_store %arg10[%swap3A_552], %gather3A_549 {strides = array<i32>} : memref<4096xf32, #tpu.memory_space<vmem>>, vector<16xf32>,
        %scan3A_554 = arith.constant 0 : i32
        scf.yield %scan3A_554 : i32
      }
      %scan3A_416 = arith.constant 32 : i32
      %shift_right_arithmetic3A_417 = arith.constant 7 : i32
      %shift_right_arithmetic3A_418 = arith.shrsi %add3A_387, %shift_right_arithmetic3A_417 : i32
      %and3A_419 = arith.constant 127 : i32
      %and3A_420 = arith.andi %add3A_387, %and3A_419 : i32
      %mul3A_421 = arith.constant 4 : i32
      %mul3A_422 = arith.muli %shift_right_arithmetic3A_418, %mul3A_421 : i32
      %add3A_423 = arith.constant 0 : i32
      %add3A_424 = arith.addi %mul3A_422, %add3A_423 : i32
      %mul3A_425 = arith.constant 128 : i32
      %mul3A_426 = arith.muli %add3A_424, %mul3A_425 : i32
      %add3A_427 = arith.addi %mul3A_426, %and3A_420 : i32
      %mul3A_428 = arith.constant 1024 : i32
      %mul3A_429 = arith.muli %add3A_427, %mul3A_428 : i32
      %multiple_of3A_430 = tpu.assume_multiple %mul3A_429, 1024 : i32
      %dma_start3A_431 = arith.constant 0 : i32
      %dma_start3A_432 = tpu.memref_slice %arg10[%dma_start3A_431] : memref<4096xf32, #tpu.memory_space<vmem>> -> memref<1024xf32, #tpu.memory_space<vmem>>
      %dma_start3A_433 = tpu.memref_slice %arg4[%multiple_of3A_430] : memref<13631488xf32, #tpu.memory_space<hbm>> -> memref<1024xf32, #tpu.memory_space<hbm>>
      %dma_start3A_434 = tpu.memref_slice %arg4[%multiple_of3A_430] : memref<13631488xf32, #tpu.memory_space<hbm>> -> memref<1024xf32, #tpu.memory_space<hbm>>
      %dma_start3A_435 = arith.constant 0 : i32
      %dma_start3A_436 = tpu.memref_slice %arg10[%dma_start3A_435] : memref<4096xf32, #tpu.memory_space<vmem>> -> memref<1024xf32, #tpu.memory_space<vmem>>
      tpu.enqueue_dma source(%dma_start3A_436 : memref<1024xf32, #tpu.memory_space<vmem>>) target(%dma_start3A_434 : memref<1024xf32, #tpu.memory_space<hbm>>) target_semaphore(%arg16 : memref<!tpu.dma_semaphore, #tpu.memory_space<semaphore_mem>>)
      %mul3A_437 = arith.constant 4 : i32
      %mul3A_438 = arith.muli %shift_right_arithmetic3A_418, %mul3A_437 : i32
      %add3A_439 = arith.constant 1 : i32
      %add3A_440 = arith.addi %mul3A_438, %add3A_439 : i32
      %mul3A_441 = arith.constant 128 : i32
      %mul3A_442 = arith.muli %add3A_440, %mul3A_441 : i32
      %add3A_443 = arith.addi %mul3A_442, %and3A_420 : i32
      %mul3A_444 = arith.constant 1024 : i32
      %mul3A_445 = arith.muli %add3A_443, %mul3A_444 : i32
      %multiple_of3A_446 = tpu.assume_multiple %mul3A_445, 1024 : i32
      %dma_start3A_447 = arith.constant 1024 : i32
      %dma_start3A_448 = tpu.memref_slice %arg10[%dma_start3A_447] : memref<4096xf32, #tpu.memory_space<vmem>> -> memref<1024xf32, #tpu.memory_space<vmem>>
      %dma_start3A_449 = tpu.memref_slice %arg4[%multiple_of3A_446] : memref<13631488xf32, #tpu.memory_space<hbm>> -> memref<1024xf32, #tpu.memory_space<hbm>>
      %dma_start3A_450 = tpu.memref_slice %arg4[%multiple_of3A_446] : memref<13631488xf32, #tpu.memory_space<hbm>> -> memref<1024xf32, #tpu.memory_space<hbm>>
      %dma_start3A_451 = arith.constant 1024 : i32
      %dma_start3A_452 = tpu.memref_slice %arg10[%dma_start3A_451] : memref<4096xf32, #tpu.memory_space<vmem>> -> memref<1024xf32, #tpu.memory_space<vmem>>
      tpu.enqueue_dma source(%dma_start3A_452 : memref<1024xf32, #tpu.memory_space<vmem>>) target(%dma_start3A_450 : memref<1024xf32, #tpu.memory_space<hbm>>) target_semaphore(%arg16 : memref<!tpu.dma_semaphore, #tpu.memory_space<semaphore_mem>>)
      %mul3A_453 = arith.constant 4 : i32
      %mul3A_454 = arith.muli %shift_right_arithmetic3A_418, %mul3A_453 : i32
      %add3A_455 = arith.constant 2 : i32
      %add3A_456 = arith.addi %mul3A_454, %add3A_455 : i32
      %mul3A_457 = arith.constant 128 : i32
      %mul3A_458 = arith.muli %add3A_456, %mul3A_457 : i32
      %add3A_459 = arith.addi %mul3A_458, %and3A_420 : i32
      %mul3A_460 = arith.constant 1024 : i32
      %mul3A_461 = arith.muli %add3A_459, %mul3A_460 : i32
      %multiple_of3A_462 = tpu.assume_multiple %mul3A_461, 1024 : i32
      %dma_start3A_463 = arith.constant 2048 : i32
      %dma_start3A_464 = tpu.memref_slice %arg10[%dma_start3A_463] : memref<4096xf32, #tpu.memory_space<vmem>> -> memref<1024xf32, #tpu.memory_space<vmem>>
      %dma_start3A_465 = tpu.memref_slice %arg4[%multiple_of3A_462] : memref<13631488xf32, #tpu.memory_space<hbm>> -> memref<1024xf32, #tpu.memory_space<hbm>>
      %dma_start3A_466 = tpu.memref_slice %arg4[%multiple_of3A_462] : memref<13631488xf32, #tpu.memory_space<hbm>> -> memref<1024xf32, #tpu.memory_space<hbm>>
      %dma_start3A_467 = arith.constant 2048 : i32
      %dma_start3A_468 = tpu.memref_slice %arg10[%dma_start3A_467] : memref<4096xf32, #tpu.memory_space<vmem>> -> memref<1024xf32, #tpu.memory_space<vmem>>
      tpu.enqueue_dma source(%dma_start3A_468 : memref<1024xf32, #tpu.memory_space<vmem>>) target(%dma_start3A_466 : memref<1024xf32, #tpu.memory_space<hbm>>) target_semaphore(%arg16 : memref<!tpu.dma_semaphore, #tpu.memory_space<semaphore_mem>>)
      %mul3A_469 = arith.constant 4 : i32
      %mul3A_470 = arith.muli %shift_right_arithmetic3A_418, %mul3A_469 : i32
      %add3A_471 = arith.constant 3 : i32
      %add3A_472 = arith.addi %mul3A_470, %add3A_471 : i32
      %mul3A_473 = arith.constant 128 : i32
      %mul3A_474 = arith.muli %add3A_472, %mul3A_473 : i32
      %add3A_475 = arith.addi %mul3A_474, %and3A_420 : i32
      %mul3A_476 = arith.constant 1024 : i32
      %mul3A_477 = arith.muli %add3A_475, %mul3A_476 : i32
      %multiple_of3A_478 = tpu.assume_multiple %mul3A_477, 1024 : i32
      %dma_start3A_479 = arith.constant 3072 : i32
      %dma_start3A_480 = tpu.memref_slice %arg10[%dma_start3A_479] : memref<4096xf32, #tpu.memory_space<vmem>> -> memref<1024xf32, #tpu.memory_space<vmem>>
      %dma_start3A_481 = tpu.memref_slice %arg4[%multiple_of3A_478] : memref<13631488xf32, #tpu.memory_space<hbm>> -> memref<1024xf32, #tpu.memory_space<hbm>>
      %dma_start3A_482 = tpu.memref_slice %arg4[%multiple_of3A_478] : memref<13631488xf32, #tpu.memory_space<hbm>> -> memref<1024xf32, #tpu.memory_space<hbm>>
      %dma_start3A_483 = arith.constant 3072 : i32
      %dma_start3A_484 = tpu.memref_slice %arg10[%dma_start3A_483] : memref<4096xf32, #tpu.memory_space<vmem>> -> memref<1024xf32, #tpu.memory_space<vmem>>
      tpu.enqueue_dma source(%dma_start3A_484 : memref<1024xf32, #tpu.memory_space<vmem>>) target(%dma_start3A_482 : memref<1024xf32, #tpu.memory_space<hbm>>) target_semaphore(%arg16 : memref<!tpu.dma_semaphore, #tpu.memory_space<semaphore_mem>>)
      %scan3A_485 = arith.constant 0 : i32
      scf.yield %scan3A_485 : i32
    }
    %scan3A_224 = arith.constant 52 : i32
    %dma_wait3A_225 = arith.constant 0 : i32
    %dma_wait3A_226 = tpu.memref_slice %arg9[%dma_wait3A_225] : memref<4096xf32, #tpu.memory_space<vmem>> -> memref<1024xf32, #tpu.memory_space<vmem>>
    %dma_wait3A_227 = arith.constant 0 : i32
    %dma_wait3A_228 = tpu.memref_slice %arg4[%dma_wait3A_227] : memref<13631488xf32, #tpu.memory_space<hbm>> -> memref<1024xf32, #tpu.memory_space<hbm>>
    %dma_wait3A_229 = arith.constant 0 : i32
    %dma_wait3A_230 = tpu.memref_slice %arg9[%dma_wait3A_229] : memref<4096xf32, #tpu.memory_space<vmem>> -> memref<1024xf32, #tpu.memory_space<vmem>>
    %dma_wait3A_231 = arith.constant 0 : i32
    %dma_wait3A_232 = tpu.memref_slice %arg4[%dma_wait3A_231] : memref<13631488xf32, #tpu.memory_space<hbm>> -> memref<1024xf32, #tpu.memory_space<hbm>>
    tpu.wait_dma2 semaphore(%arg15 : memref<!tpu.dma_semaphore, #tpu.memory_space<semaphore_mem>>) src(%dma_wait3A_232 : memref<1024xf32, #tpu.memory_space<hbm>>) dst(%dma_wait3A_230 : memref<1024xf32, #tpu.memory_space<vmem>>)
    %dma_wait3A_233 = arith.constant 1024 : i32
    %dma_wait3A_234 = tpu.memref_slice %arg9[%dma_wait3A_233] : memref<4096xf32, #tpu.memory_space<vmem>> -> memref<1024xf32, #tpu.memory_space<vmem>>
    %dma_wait3A_235 = arith.constant 1024 : i32
    %dma_wait3A_236 = tpu.memref_slice %arg4[%dma_wait3A_235] : memref<13631488xf32, #tpu.memory_space<hbm>> -> memref<1024xf32, #tpu.memory_space<hbm>>
    %dma_wait3A_237 = arith.constant 1024 : i32
    %dma_wait3A_238 = tpu.memref_slice %arg9[%dma_wait3A_237] : memref<4096xf32, #tpu.memory_space<vmem>> -> memref<1024xf32, #tpu.memory_space<vmem>>
    %dma_wait3A_239 = arith.constant 1024 : i32
    %dma_wait3A_240 = tpu.memref_slice %arg4[%dma_wait3A_239] : memref<13631488xf32, #tpu.memory_space<hbm>> -> memref<1024xf32, #tpu.memory_space<hbm>>
    tpu.wait_dma2 semaphore(%arg15 : memref<!tpu.dma_semaphore, #tpu.memory_space<semaphore_mem>>) src(%dma_wait3A_240 : memref<1024xf32, #tpu.memory_space<hbm>>) dst(%dma_wait3A_238 : memref<1024xf32, #tpu.memory_space<vmem>>)
    %dma_wait3A_241 = arith.constant 2048 : i32
    %dma_wait3A_242 = tpu.memref_slice %arg9[%dma_wait3A_241] : memref<4096xf32, #tpu.memory_space<vmem>> -> memref<1024xf32, #tpu.memory_space<vmem>>
    %dma_wait3A_243 = arith.constant 2048 : i32
    %dma_wait3A_244 = tpu.memref_slice %arg4[%dma_wait3A_243] : memref<13631488xf32, #tpu.memory_space<hbm>> -> memref<1024xf32, #tpu.memory_space<hbm>>
    %dma_wait3A_245 = arith.constant 2048 : i32
    %dma_wait3A_246 = tpu.memref_slice %arg9[%dma_wait3A_245] : memref<4096xf32, #tpu.memory_space<vmem>> -> memref<1024xf32, #tpu.memory_space<vmem>>
    %dma_wait3A_247 = arith.constant 2048 : i32
    %dma_wait3A_248 = tpu.memref_slice %arg4[%dma_wait3A_247] : memref<13631488xf32, #tpu.memory_space<hbm>> -> memref<1024xf32, #tpu.memory_space<hbm>>
    tpu.wait_dma2 semaphore(%arg15 : memref<!tpu.dma_semaphore, #tpu.memory_space<semaphore_mem>>) src(%dma_wait3A_248 : memref<1024xf32, #tpu.memory_space<hbm>>) dst(%dma_wait3A_246 : memref<1024xf32, #tpu.memory_space<vmem>>)
    %dma_wait3A_249 = arith.constant 3072 : i32
    %dma_wait3A_250 = tpu.memref_slice %arg9[%dma_wait3A_249] : memref<4096xf32, #tpu.memory_space<vmem>> -> memref<1024xf32, #tpu.memory_space<vmem>>
    %dma_wait3A_251 = arith.constant 3072 : i32
    %dma_wait3A_252 = tpu.memref_slice %arg4[%dma_wait3A_251] : memref<13631488xf32, #tpu.memory_space<hbm>> -> memref<1024xf32, #tpu.memory_space<hbm>>
    %dma_wait3A_253 = arith.constant 3072 : i32
    %dma_wait3A_254 = tpu.memref_slice %arg9[%dma_wait3A_253] : memref<4096xf32, #tpu.memory_space<vmem>> -> memref<1024xf32, #tpu.memory_space<vmem>>
    %dma_wait3A_255 = arith.constant 3072 : i32
    %dma_wait3A_256 = tpu.memref_slice %arg4[%dma_wait3A_255] : memref<13631488xf32, #tpu.memory_space<hbm>> -> memref<1024xf32, #tpu.memory_space<hbm>>
    tpu.wait_dma2 semaphore(%arg15 : memref<!tpu.dma_semaphore, #tpu.memory_space<semaphore_mem>>) src(%dma_wait3A_256 : memref<1024xf32, #tpu.memory_space<hbm>>) dst(%dma_wait3A_254 : memref<1024xf32, #tpu.memory_space<vmem>>)
    %dma_wait3A_257 = arith.constant 0 : i32
    %dma_wait3A_258 = tpu.memref_slice %arg10[%dma_wait3A_257] : memref<4096xf32, #tpu.memory_space<vmem>> -> memref<1024xf32, #tpu.memory_space<vmem>>
    %dma_wait3A_259 = arith.constant 0 : i32
    %dma_wait3A_260 = tpu.memref_slice %arg4[%dma_wait3A_259] : memref<13631488xf32, #tpu.memory_space<hbm>> -> memref<1024xf32, #tpu.memory_space<hbm>>
    %dma_wait3A_261 = arith.constant 0 : i32
    %dma_wait3A_262 = tpu.memref_slice %arg10[%dma_wait3A_261] : memref<4096xf32, #tpu.memory_space<vmem>> -> memref<1024xf32, #tpu.memory_space<vmem>>
    %dma_wait3A_263 = arith.constant 0 : i32
    %dma_wait3A_264 = tpu.memref_slice %arg4[%dma_wait3A_263] : memref<13631488xf32, #tpu.memory_space<hbm>> -> memref<1024xf32, #tpu.memory_space<hbm>>
    tpu.wait_dma2 semaphore(%arg16 : memref<!tpu.dma_semaphore, #tpu.memory_space<semaphore_mem>>) src(%dma_wait3A_264 : memref<1024xf32, #tpu.memory_space<hbm>>) dst(%dma_wait3A_262 : memref<1024xf32, #tpu.memory_space<vmem>>)
    %dma_wait3A_265 = arith.constant 1024 : i32
    %dma_wait3A_266 = tpu.memref_slice %arg10[%dma_wait3A_265] : memref<4096xf32, #tpu.memory_space<vmem>> -> memref<1024xf32, #tpu.memory_space<vmem>>
    %dma_wait3A_267 = arith.constant 1024 : i32
    %dma_wait3A_268 = tpu.memref_slice %arg4[%dma_wait3A_267] : memref<13631488xf32, #tpu.memory_space<hbm>> -> memref<1024xf32, #tpu.memory_space<hbm>>
    %dma_wait3A_269 = arith.constant 1024 : i32
    %dma_wait3A_270 = tpu.memref_slice %arg10[%dma_wait3A_269] : memref<4096xf32, #tpu.memory_space<vmem>> -> memref<1024xf32, #tpu.memory_space<vmem>>
    %dma_wait3A_271 = arith.constant 1024 : i32
    %dma_wait3A_272 = tpu.memref_slice %arg4[%dma_wait3A_271] : memref<13631488xf32, #tpu.memory_space<hbm>> -> memref<1024xf32, #tpu.memory_space<hbm>>
    tpu.wait_dma2 semaphore(%arg16 : memref<!tpu.dma_semaphore, #tpu.memory_space<semaphore_mem>>) src(%dma_wait3A_272 : memref<1024xf32, #tpu.memory_space<hbm>>) dst(%dma_wait3A_270 : memref<1024xf32, #tpu.memory_space<vmem>>)
    %dma_wait3A_273 = arith.constant 2048 : i32
    %dma_wait3A_274 = tpu.memref_slice %arg10[%dma_wait3A_273] : memref<4096xf32, #tpu.memory_space<vmem>> -> memref<1024xf32, #tpu.memory_space<vmem>>
    %dma_wait3A_275 = arith.constant 2048 : i32
    %dma_wait3A_276 = tpu.memref_slice %arg4[%dma_wait3A_275] : memref<13631488xf32, #tpu.memory_space<hbm>> -> memref<1024xf32, #tpu.memory_space<hbm>>
    %dma_wait3A_277 = arith.constant 2048 : i32
    %dma_wait3A_278 = tpu.memref_slice %arg10[%dma_wait3A_277] : memref<4096xf32, #tpu.memory_space<vmem>> -> memref<1024xf32, #tpu.memory_space<vmem>>
    %dma_wait3A_279 = arith.constant 2048 : i32
    %dma_wait3A_280 = tpu.memref_slice %arg4[%dma_wait3A_279] : memref<13631488xf32, #tpu.memory_space<hbm>> -> memref<1024xf32, #tpu.memory_space<hbm>>
    tpu.wait_dma2 semaphore(%arg16 : memref<!tpu.dma_semaphore, #tpu.memory_space<semaphore_mem>>) src(%dma_wait3A_280 : memref<1024xf32, #tpu.memory_space<hbm>>) dst(%dma_wait3A_278 : memref<1024xf32, #tpu.memory_space<vmem>>)
    %dma_wait3A_281 = arith.constant 3072 : i32
    %dma_wait3A_282 = tpu.memref_slice %arg10[%dma_wait3A_281] : memref<4096xf32, #tpu.memory_space<vmem>> -> memref<1024xf32, #tpu.memory_space<vmem>>
    %dma_wait3A_283 = arith.constant 3072 : i32
    %dma_wait3A_284 = tpu.memref_slice %arg4[%dma_wait3A_283] : memref<13631488xf32, #tpu.memory_space<hbm>> -> memref<1024xf32, #tpu.memory_space<hbm>>
    %dma_wait3A_285 = arith.constant 3072 : i32
    %dma_wait3A_286 = tpu.memref_slice %arg10[%dma_wait3A_285] : memref<4096xf32, #tpu.memory_space<vmem>> -> memref<1024xf32, #tpu.memory_space<vmem>>
    %dma_wait3A_287 = arith.constant 3072 : i32
    %dma_wait3A_288 = tpu.memref_slice %arg4[%dma_wait3A_287] : memref<13631488xf32, #tpu.memory_space<hbm>> -> memref<1024xf32, #tpu.memory_space<hbm>>
    tpu.wait_dma2 semaphore(%arg16 : memref<!tpu.dma_semaphore, #tpu.memory_space<semaphore_mem>>) src(%dma_wait3A_288 : memref<1024xf32, #tpu.memory_space<hbm>>) dst(%dma_wait3A_286 : memref<1024xf32, #tpu.memory_space<vmem>>)
    return
  }
}

module attributes {stable_mosaic.version = 14 : i64} {
  func.func @_repack_body(%arg0: i32, %arg1: memref<32x8192xf32, #tpu.memory_space<vmem>>, %arg2: memref<2048x128xf32, #tpu.memory_space<vmem>>) attributes {dimension_semantics = [#tpu.dimension_semantics<arbitrary>], iteration_bounds = array<i64: 318>, scalar_prefetch = 0 : i64, scratch_operands = 0 : i64, tpu.core_type = #tpu.core_type<tc>, window_params = [{transform_indices = @transform_0, window_bounds = array<i64: 32, 8192>}, {transform_indices = @transform_1, window_bounds = array<i64: 2048, 128>}]} {
    %get3A = arith.constant 0 : index
    %get3A_0 = arith.constant 0 : index
    %get3A_1 = vector.load %arg1[%get3A, %get3A_0] : memref<32x8192xf32, #tpu.memory_space<vmem>>, vector<32x8192xf32>
    %slice3A = vector.extract_strided_slice %get3A_1 {offsets = [0, 0], sizes = [32, 2048], strides = [1, 1]} : vector<32x8192xf32> to vector<32x2048xf32>
    %transpose3A = tpu.transpose %slice3A, [1, 0] : vector<32x2048xf32> -> vector<2048x32xf32>
    %swap3A = arith.constant 0 : index
    %swap3A_2 = arith.constant 0 : index
    %swap3A_3 = vector.load %arg2[%swap3A, %swap3A_2] : memref<2048x128xf32, #tpu.memory_space<vmem>>, vector<2048x32xf32>
    tpu.vector_store %arg2[%swap3A, %swap3A_2], %transpose3A {strides = array<i32>} : memref<2048x128xf32, #tpu.memory_space<vmem>>, vector<2048x32xf32>,
    %slice3A_4 = vector.extract_strided_slice %get3A_1 {offsets = [0, 2048], sizes = [32, 2048], strides = [1, 1]} : vector<32x8192xf32> to vector<32x2048xf32>
    %transpose3A_5 = tpu.transpose %slice3A_4, [1, 0] : vector<32x2048xf32> -> vector<2048x32xf32>
    %swap3A_6 = arith.constant 0 : index
    %swap3A_7 = arith.constant 32 : index
    %swap3A_8 = vector.load %arg2[%swap3A_6, %swap3A_7] : memref<2048x128xf32, #tpu.memory_space<vmem>>, vector<2048x32xf32>
    tpu.vector_store %arg2[%swap3A_6, %swap3A_7], %transpose3A_5 {strides = array<i32>} : memref<2048x128xf32, #tpu.memory_space<vmem>>, vector<2048x32xf32>,
    %slice3A_9 = vector.extract_strided_slice %get3A_1 {offsets = [0, 4096], sizes = [32, 2048], strides = [1, 1]} : vector<32x8192xf32> to vector<32x2048xf32>
    %transpose3A_10 = tpu.transpose %slice3A_9, [1, 0] : vector<32x2048xf32> -> vector<2048x32xf32>
    %swap3A_11 = arith.constant 0 : index
    %swap3A_12 = arith.constant 64 : index
    %swap3A_13 = vector.load %arg2[%swap3A_11, %swap3A_12] : memref<2048x128xf32, #tpu.memory_space<vmem>>, vector<2048x32xf32>
    tpu.vector_store %arg2[%swap3A_11, %swap3A_12], %transpose3A_10 {strides = array<i32>} : memref<2048x128xf32, #tpu.memory_space<vmem>>, vector<2048x32xf32>,
    %slice3A_14 = vector.extract_strided_slice %get3A_1 {offsets = [0, 6144], sizes = [32, 2048], strides = [1, 1]} : vector<32x8192xf32> to vector<32x2048xf32>
    %transpose3A_15 = tpu.transpose %slice3A_14, [1, 0] : vector<32x2048xf32> -> vector<2048x32xf32>
    %swap3A_16 = arith.constant 0 : index
    %swap3A_17 = arith.constant 96 : index
    %swap3A_18 = vector.load %arg2[%swap3A_16, %swap3A_17] : memref<2048x128xf32, #tpu.memory_space<vmem>>, vector<2048x32xf32>
    tpu.vector_store %arg2[%swap3A_16, %swap3A_17], %transpose3A_15 {strides = array<i32>} : memref<2048x128xf32, #tpu.memory_space<vmem>>, vector<2048x32xf32>,
    return
  }
  func.func @transform_0(%arg0: i32) -> (i32, i32) {
    %c0_i32 = arith.constant 0 : i32
    %c0_i32_0 = arith.constant 0 : i32
    return %c0_i32, %arg0 : i32, i32
  }
  func.func @transform_1(%arg0: i32) -> (i32, i32) {
    %c0_i32 = arith.constant 0 : i32
    %c0_i32_0 = arith.constant 0 : i32
    return %arg0, %c0_i32 : i32, i32
  }
}

</mosaic_0001>

<sc_bundles>
// kernel: kernel.4.cloned.1.call-start
scs
__scs_entry_jumppad:
0x0: {  	(pc) =	sbr.rel $0x88, $3  }
0x1: {  	(tag) =	ssettag $0x0;
	lr =	simm.s32 $0x1  }
0x2: {  	[smem:$0x3F9F] =	sst lr;
	_ =	strace $0xD0000000  }
0x3: {  	_ = 	snop  }
0x4: {  	_ = 	snop  }
0x5: {  	_ = 	snop  }
0x6: {  	_ = 	snop  }
0x7: {  	_ = 	snop  }
__scs_overlays_trampoline_lowered:
0x8: {  	[smem:$0x3FAE] =	sst s0  }
0x9: {  	[smem:$0x3FAF] =	sst s1  }
0xa: {  	[smem:$0x3FB0] =	sst s2  }
0xb: {  	[smem:$0x3FB1] =	sst s3  }
0xc: {  	[smem:$0x3FB2] =	sst s4  }
0xd: {  	[smem:$0x3FB3] =	sst s5  }
0xe: {  	[smem:$0x3FB4] =	sst s6  }
0xf: {  	[smem:$0x3FB5] =	sst s7  }
0x10: {  	[smem:$0x3FB6] =	sst s8  }
0x11: {  	[smem:$0x3FB7] =	sst s9;
	s0 =	simm.s32 @!p0 $0x0  }
0x12: {  	s1 =	sld [smem:$0x3F9D];
	s0 =	simm.s32 @p0 $0x1  }
0x13: {  	[smem:$0x3FB8] =	sst s0;
	s0 =	simm.s32 @!p1 $0x0  }
0x14: {  	s2 =	sld [smem:$0x3F9C];
	s0 =	simm.s32 @p1 $0x1  }
0x15: {  	[smem:$0x3FB9] =	sst s0;
	s0 =	simm.s32 @!p2 $0x0  }
0x16: {  	s3 =	sld [smem:$0x3FDB];
	s0 =	simm.s32 @p2 $0x1  }
0x17: {  	s4 =	simm.s32 $0x1BF5;
	[smem:$0x3FBB] =	sst s0  }
0x18: {  	s0 =	sld [smem:$0x3F9E];
	_ =	swait.ge [sflag:s4], $0x0  }
0x19: {  	s7 =	sld [smem:$0x3F9F]  }
0x1a: {  	s8 =	sadd.s32 $0xFFFFE003, lr  }
0x1b: {  	s9 =	sadd.s32 $0xFFFFFEF7, lr;
	s5 =	simm.s32 $0xFFFFFFFF;
	p2 =	slt.u32 s8, $0xFFFFF086  }
0x1c: {  	p1 =	slt.u32 s9, $0xF7A;
	s5 =	simm.s32 @!p2 $0x0  }
0x1d: {  	s5 =	simm.s32 @p1 $0x1;
	p0 =	seq.s32 s7, s2  }
0x1e: {  	s7 =	smul.u32 @!p0 $0xF7A, s2;
	p2 =	seq.s32 @!p0 s5, $0x0  }
0x1f: {  	s9 =	smul.u32 $0xF7A, s1;
	s8 =	simm.s32 @!p0 $0x1BF5;
	p2 =	por !p2, p0  }
0x20: {  	[sflag:s8] =	ssyncset.s32 @!p0 $0xFFFFF086;
	s6 =	sadd.s32 @!p0 s3, s7;
	s7 =	simm.s32 @!p0 $0x108  }
0x21: {  	s3 =	sadd.s32 s3, s9;
	s6 =	sadd.s32 @!p0 $0x88, s6;
	s7 =	simm.s32 @p2 $0x1082  }
0x22: {  	[simem:s7], [sflag:s8] =	dma.local @!p0 [hbm:s6], $0xF7A  }
0x23: {  	s9 =	sor.u32 $0xD0000000, s2;
	s6 =	simm.s32 $0x108;
	_ =	swait.ge @!p0 [sflag:s8], $0x0  }
0x24: {  	s3 =	sadd.s32 $0x88, s3;
	s6 =	simm.s32 @!p1 $0x1082;
	[sflag:s4] =	ssyncset.s32 $0xFFFFF086  }
0x25: {  	[simem:s6], [sflag:s4] =	dma.local [hbm:s3], $0xF7A  }
0x26: {  	[smem:$0x3F9F] =	sst s1;
	(tag) =	ssettag s2;
	_ =	strace s9  }
0x27: {  	s1 =	sld [smem:$0x3FAF]  }
0x28: {  	s2 =	sld [smem:$0x3FB0]  }
0x29: {  	s4 =	sld [smem:$0x3FB2]  }
0x2a: {  	p0 =	seq.s32 s5, $0x0;
	s5 =	sld [smem:$0x3FB3]  }
0x2b: {  	s6 =	sld [smem:$0x3FB4]  }
0x2c: {  	s7 =	sld [smem:$0x3FB5]  }
0x2d: {  	s3 =	simm.s32 $0x108;
	s8 =	sld [smem:$0x3FB6]  }
0x2e: {  	s3 =	simm.s32 @!p0 $0x1082;
	s9 =	sld [smem:$0x3FB7]  }
0x2f: {  	lr =	sadd.s32 s0, s3;
	s0 =	sld [smem:$0x3FAE]  }
0x30: {  	s3 =	sld [smem:$0x3FB1]  }
0x31: {  	[smem:$0x3FBA] =	sst s10  }
0x32: {  	s10 =	sld [smem:$0x3FB8];
	_ =	sdelay $0x3  }
0x33: {  	p0 =	seq.s32 s10, $0x1;
	s10 =	sld [smem:$0x3FBA];
	_ =	sdelay $0x3  }
0x34: {  	[smem:$0x3FBA] =	sst s10  }
0x35: {  	s10 =	sld [smem:$0x3FB9];
	_ =	sdelay $0x3  }
0x36: {  	p1 =	seq.s32 s10, $0x1;
	s10 =	sld [smem:$0x3FBA];
	_ =	sdelay $0x3  }
0x37: {  	[smem:$0x3FBA] =	sst s10  }
0x38: {  	s10 =	sld [smem:$0x3FBB]  }
0x39: {  	_ = 	snop;
	(pc) =	sbr.ind lr, $3  }
0x3a: {  	_ = 	snop  }
0x3b: {  	_ = 	snop  }
0x3c: {  	p2 =	seq.s32 s10, $0x1;
	s10 =	sld [smem:$0x3FBA]  }
0x3d: {  	_ =	shalt  }
0x3e: {  	_ =	shalt  }
0x3f: {  	_ =	shalt  }
0x40: {  	_ =	shalt  }
0x41: {  	_ =	shalt  }
0x42: {  	_ =	shalt  }
0x43: {  	_ =	shalt  }
0x44: {  	_ =	shalt  }
0x45: {  	_ =	shalt  }
0x46: {  	_ =	shalt  }
0x47: {  	_ =	shalt  }
0x48: {  	_ =	shalt  }
0x49: {  	_ =	shalt  }
0x4a: {  	_ =	shalt  }
0x4b: {  	_ =	shalt  }
0x4c: {  	_ =	shalt  }
0x4d: {  	_ =	shalt  }
0x4e: {  	_ =	shalt  }
0x4f: {  	_ =	shalt  }
0x50: {  	_ =	shalt  }
0x51: {  	_ =	shalt  }
0x52: {  	_ =	shalt  }
0x53: {  	_ =	shalt  }
0x54: {  	_ =	shalt  }
0x55: {  	_ =	shalt  }
0x56: {  	_ =	shalt  }
0x57: {  	_ =	shalt  }
0x58: {  	_ =	shalt  }
0x59: {  	_ =	shalt  }
0x5a: {  	_ =	shalt  }
0x5b: {  	_ =	shalt  }
0x5c: {  	_ =	shalt  }
0x5d: {  	_ =	shalt  }
0x5e: {  	_ =	shalt  }
0x5f: {  	_ =	shalt  }
0x60: {  	_ =	shalt  }
0x61: {  	_ =	shalt  }
0x62: {  	_ =	shalt  }
0x63: {  	_ =	shalt  }
0x64: {  	_ =	shalt  }
0x65: {  	_ =	shalt  }
0x66: {  	_ =	shalt  }
0x67: {  	_ =	shalt  }
0x68: {  	_ =	shalt  }
0x69: {  	_ =	shalt  }
0x6a: {  	_ =	shalt  }
0x6b: {  	_ =	shalt  }
0x6c: {  	_ =	shalt  }
0x6d: {  	_ =	shalt  }
0x6e: {  	_ =	shalt  }
0x6f: {  	_ =	shalt  }
0x70: {  	_ =	shalt  }
0x71: {  	_ =	shalt  }
0x72: {  	_ =	shalt  }
0x73: {  	_ =	shalt  }
0x74: {  	_ =	shalt  }
0x75: {  	_ =	shalt  }
0x76: {  	_ =	shalt  }
0x77: {  	_ =	shalt  }
0x78: {  	_ =	shalt  }
0x79: {  	_ =	shalt  }
0x7a: {  	_ =	shalt  }
0x7b: {  	_ =	shalt  }
0x7c: {  	_ =	shalt  }
0x7d: {  	_ =	shalt  }
0x7e: {  	_ =	shalt  }
0x7f: {  	_ =	shalt  }
0x80: {  	_ =	shalt  }
0x81: {  	_ =	shalt  }
0x82: {  	_ =	shalt  }
0x83: {  	_ =	shalt  }
0x84: {  	_ =	shalt  }
0x85: {  	_ =	shalt  }
0x86: {  	_ =	shalt  }
0x87: {  	_ =	shalt  }
.Lfunc_end0:
.L_simem_size_0:
called_computation_lowered:
.L_overlay_start_0:
0x88: {  	s2 =	sld [smem:$0x3FD9]  }
0x89: {  	s3 =	sld [smem:$0x3FFE];
	_ =	sdelay $0x1  }
0x8a: {  	s1 =	srdreg.scid  }
0x8b: {  	s0 =	sand.u32 $0x1, s1  }
0x8c: {  	s17 =	sshll.u32 s0, $0xA;
	s2 =	sadd.s32 s3, s2  }
0x8d: {  	s2 =	sadd.s32 s2, s17  }
0x8e: {  	[smem:$0x3FC6] =	sst s2  }
0x8f: {  	_ = 	snop  }
0x90: {  	s2 =	sld [smem:$0x3FD0];
	(tm) =	ssettm $0x1  }
0x91: {  	s18 =	sld [smem:$0x3FFB];
	_ =	sdelay $0x3  }
0x92: {  	_ =	strace s18  }
0x93: {  	s3 =	sld [smem:$0x3FFC];
	_ =	sdelay $0x3  }
0x94: {  	_ =	strace s3  }
0x95: {  	s3 =	sld [smem:$0x3FFD];
	_ =	sdelay $0x3  }
0x96: {  	_ =	strace s3  }
0x97: {  	_ =	strace $0x8FFFFFFF  }
0x98: {  	s19 =	sld [smem:$0x3FDB];
	_ =	sdelay $0x1  }
0x99: {  	s4 =	simm.s32 $_scs_section_size  }
0x9a: {  	s5 =	simm.s32 $_size__tile_overlayer_lowered;
	s6 =	simm.s32 $_tile_overlayer_lowered  }
0x9b: {  	s22 =	simm.s32 $0x1BFF;
	s21 =	sshll.u32 s6, $0x1;
	s3 =	sadd.s32 s4, s19  }
0x9c: {  	s7 =	simm.s32 $0x0;
	s20 =	sshll.u32 s5, $0x1;
	s5 =	sadd.s32 s21, s3  }
0x9d: {  	[timem:s7], [sflag:s22] =	dma.local [hbm:s5], s20  }
0x9e: {  	_ =	swait.ge [sflag:s22], s20  }
0x9f: {  	s4 =	ssub.s32 $0x0, s20;
	[sflag:s22] =	ssyncset.done $0x0  }
0xa0: {  	[sflag:s22] =	ssyncadd.s32 s4;
	_ =	sdelay $0x1  }
0xa1: {  	s23 =	simm.s32 $0x1B8B  }
0xa2: {  	_ =	swait.ge [sflag:s23], $0x1  }
0xa3: {  	[sflag:s23] =	ssyncset.done $0x0  }
0xa4: {  	s25 =	simm.s32 $0x1B8E;
	s24 =	sld [smem:$0x3FFE];
	[sflag:s23] =	ssyncadd.s32 $0xFFFFFFFF  }
0xa5: {  	s26 =	simm.s32 $execute0_lowered;
	[smem:$0x3FD2] =	sst s25  }
0xa6: {  	s5 =	sshll.u32 s26, $0x1;
	_ =	strace $0x80000046;
	[dreg:$0x1] =	wrdreg $0xFFFFFFFF  }
0xa7: {  	s28 =	simm.s32 $_size_execute0_lowered;
	s3 =	sadd.s32 s3, s5;
	[dreg:$0x0] =	wrdreg $0x0  }
0xa8: {  	s5 =	sshll.u32 s28, $0x1;
	[dreg:$0x2] =	wrdreg s3  }
0xa9: {  	[dreg:$0x3] =	wrdreg s5  }
0xaa: {  	[dreg:$0x4] =	wrdreg $0xC0  }
0xab: {  	_ =	task [dreg:s7], $0x5FFFF  }
0xac: {  	[dreg:$0x1] =	wrdreg $0xFFFFFFFF  }
0xad: {  	[dreg:$0x0] =	wrdreg $0x60  }
0xae: {  	[dreg:$0x2] =	wrdreg s24  }
0xaf: {  	[dreg:$0x3] =	wrdreg s2  }
0xb0: {  	[dreg:$0x4] =	wrdreg $0x9  }
0xb1: {  	_ =	task.clear_ibuf [dreg:s7], $0x5FFFF;
	_ =	strace $0x90000046  }
0xb2: {  	s29 =	simm.s32 $0x9;
	_ =	strace $0x80000048  }
0xb3: {  	_ =	swait.ge [sflag:s29], $0x1  }
0xb4: {  	[sflag:s29] =	ssyncadd.s32 $0xFFFFFFFF  }
0xb5: {  	_ =	strace $0x90000048  }
0xb6: {  	_ =	sfence  }
0xb7: {  	s30 =	sld [smem:$0x0];
	_ =	sdelay $0x2  }
0xb8: {  	s31 =	sshll.u32 s1, $0xD;
	s1 =	sshrl.u32 s1, $0x2  }
0xb9: {  	s3 =	sand.u32 $0x4000, s31;
	s1 =	sadd.s32 s1, s30  }
0xba: {  	s0 =	sor.u32 s3, s0;
	s1 =	sshll.u32 s1, $0x11  }
0xbb: {  	s0 =	sor.u32 s1, s0  }
0xbc: {  	s0 =	sadd.s32 $0x8F2B, s0  }
0xbd: {  	[sflag:s0] =	ssyncadd.remote.s32 $0x1  }
0xbe: {  	_ =	sfence.sel $0xFFFF  }
0xbf: {  	[dreg:$0x0] =	wrdreg $0xFFFFFFFF;
	(pc) =	sbr.abs _section_cstart, $3  }
0xc0: {  	[dreg:$0x1] =	wrdreg $0xFFFFFFFF  }
0xc1: {  	_ =	task.clear_ibuf [dreg:s7], $0x2FFFF;
	_ =	strace $0x9FFFFFFF  }
0xc2: {  	(tm) =	ssettm $0x7FFFFFFF  }
0xc3: {  	_ =	shalt  }
tec
execute0_lowered:
.L_overlay_start_1:
0x0: {  	(tag) =	ssettag $0x1  }
0x1: {  	s0 =	srdreg.scid  }
0x2: {  	s2 =	stileid.u32;
	s1 =	rddreg [dreg:$0x0]  }
0x3: {  	s14 =	simm.s32 $0x80;
	s15 =	simm.s32 $0x1;
	s16 =	simm.s32 $0x100  }
0x4: {  	s17 =	simm.s32 $0x2;
	s18 =	simm.s32 $0x1100;
	s19 =	simm.s32 $0x3  }
0x5: {  	s20 =	simm.s32 $0x2100;
	s21 =	simm.s32 $0x2500;
	s22 =	simm.s32 $0x2900  }
0x6: {  	s23 =	simm.s32 $0x2D00;
	s28 =	simm.s32 $0x3900;
	s29 =	simm.s32 $0x3D00  }
0x7: {  	s0 =	sand.u32 $0x1, s0;
	s3 =	sshll.u32 s2, $0x1;
	s2 =	rddreg [dreg:$0x1]  }
0x8: {  	s6 =	sadd.s32 $0xD400, s1;
	s5 =	sor.u32 s0, s3;
	s3 =	simm.s32 $0x0  }
0x9: {  	s0 =	ssub.s32 $0x2, s0;
	s11 =	sadd.s32 $0x8000, s2;
	s4 =	smul.u32 $0x68, s5  }
0xa: {  	s12 =	sadd.s32 $0xC000, s2;
	[smem:$0x7FF] =	sst s3;
	s7 =	smul.u32 $0x3400, s5  }
0xb: {  	s5 =	sadd.s32 $0x400, s1;
	s24 =	sshrl.u32 s0, $0x1;
	_ =	strace $0x80000047  }
0xc: {  	s0 =	ssub.s32 s0, s24;
	s24 =	simm.s32 $0x4;
	s8 =	sshrl.u32 s4, $0x7  }
0xd: {  	v0 =	vlaneseq.u32;
	s10 =	sand.u32 $0x3C00, s7;
	s26 =	sshrl.u32 s7, $0x3;
	s9 =	sshll.u32 s8, $0xE  }
0xe: {  	v0 =	vmul.u32 $0x20, v0;
	s7 =	sadd.s32 $0x67, s4;
	s0 =	smax.u32 s0, $0x1;
	s9 =	sor.u32 s10, s9  }
0xf: {  	s30 =	sadd.s32 s26, s5;
	s31 =	smul.u32 $0x186A0, s8;
	s25 =	sshrl.u32 s9, $0x3  }
0x10: {  	v2 =	vor.u32 $0x200, v0;
	v3 =	vor.u32 $0x400, v0;
	[dreg:$0x5] =	wrdreg s0;
	s26 =	simm.s32 $0x3500;
	s1 =	sadd.s32 s5, s25  }
0x11: {  	v4 =	vor.u32 $0x600, v0;
	v5 =	vor.u32 $0x800, v0;
	v6 =	vor.u32 $0xA00, v0;
	s10 =	sadd.s32 $0x4000, s2;
	[dreg:$0x3] =	wrdreg s1;
	s1 =	sadd.s32 $0x10, s30  }
0x12: {  	v7 =	vor.u32 $0xC00, v0;
	v8 =	vor.u32 $0xE00, v0;
	v1 =	vmov s31;
	s25 =	simm.s32 $0x3100;
	[dreg:$0x4] =	wrdreg s1;
	s1 =	simm.s32 $0x0  }
.LBB2_1:
0x13: {  	s0 =	rddreg [dreg:$0x3]  }
0x14: {  	[tilespmem:s3], [sflag:$0x1] =	stream.linear.gather [hbm4b:s0+s3], $0x80, $0x38;
	[tilespmem:$0x4100] =	vst v63  }
0x15: {  	s31 =	rddreg [dreg:$0x4]  }
0x16: {  	[tilespmem:s14], [sflag:$0x2] =	stream.linear.gather [hbm4b:s31+s3], $0x80, $0x38;
	[tilespmem:$0x4100] =	vst v63  }
0x17: {  	_ =	swait.ge [sflag:s15], $0x80  }
0x18: {  	[sflag:s15] =	ssyncset.done $0x0  }
0x19: {  	[sflag:s15] =	ssyncadd.s32 $0xFFFFFF80  }
0x1a: {  	v9 =	vld [tilespmem:$0x0]  }
0x1b: {  	v10 =	vld [tilespmem:$0x10]  }
0x1c: {  	v11 =	vld [tilespmem:$0x20]  }
0x1d: {  	v14 =	vld [tilespmem:$0x30]  }
0x1e: {  	v50 =	vld [tilespmem:$0x50]  }
0x1f: {  	v17 =	vld [tilespmem:$0x60]  }
0x20: {  	v53 =	vld [tilespmem:$0x70];
	_ =	sdelay $0x2  }
0x21: {  	v9 =	vadd.s32 v1, v9;
	v10 =	vadd.s32 v1, v10;
	v11 =	vadd.s32 v1, v11  }
0x22: {  	v49 =	vadd.s32 v1, v14;
	v14 =	vadd.s32 v1, v50;
	v57 =	vadd.s32 v1, v17  }
0x23: {  	v60 =	vadd.s32 v1, v53;
	v12 =	vand.u32 $0xFFFFE000, v9;
	v13 =	vshll.u32 v9, $0x2  }
0x24: {  	v9 =	vshrl.u32 v9, $0xB;
	v45 =	vshll.u32 v10, $0x2;
	v15 =	vand.u32 $0xFFFFE000, v10  }
0x25: {  	v10 =	vshrl.u32 v10, $0xB;
	v47 =	vshll.u32 v11, $0x2;
	v48 =	vand.u32 $0xFFFFE000, v11  }
0x26: {  	v11 =	vshrl.u32 v11, $0xB;
	v51 =	vand.u32 $0xFFFFE000, v49;
	v16 =	vshll.u32 v49, $0x2  }
0x27: {  	v55 =	vshll.u32 v14, $0x2;
	v56 =	vand.u32 $0xFFFFE000, v14;
	v14 =	vshrl.u32 v14, $0xB  }
0x28: {  	v46 =	vld [tilespmem:$0x40];
	v58 =	vshll.u32 v57, $0x2;
	v59 =	vshrl.u32 v57, $0xB;
	v61 =	vshll.u32 v60, $0x2  }
0x29: {  	v62 =	vand.u32 $0xFFFFE000, v60;
	v63 =	vshrl.u32 v60, $0xB;
	v13 =	vand.u32 $0x1FFC, v13  }
0x2a: {  	v9 =	vand.u32 $0x3, v9;
	v10 =	vand.u32 $0x3, v10;
	v11 =	vand.u32 $0x3, v11  }
0x2b: {  	v16 =	vand.u32 $0x1FFC, v16;
	v12 =	vor.u32 v12, v13;
	v13 =	vand.u32 $0x1FFC, v45  }
0x2c: {  	v13 =	vor.u32 v15, v13;
	v9 =	vor.u32 v9, v12;
	v12 =	vand.u32 $0x1FFC, v47  }
0x2d: {  	v15 =	vadd.s32 v1, v46;
	v10 =	vor.u32 v10, v13;
	v12 =	vor.u32 v48, v12  }
0x2e: {  	v13 =	vshrl.u32 v49, $0xB;
	v52 =	vshll.u32 v15, $0x2;
	v18 =	vand.u32 $0xFFFFE000, v15  }
0x2f: {  	v15 =	vshrl.u32 v15, $0xB;
	v11 =	vor.u32 v11, v12;
	v12 =	vor.u32 v51, v16  }
0x30: {  	[tilespmem:$0x0] =	vst v9;
	v13 =	vand.u32 $0x3, v13;
	v16 =	vand.u32 $0x1FFC, v52;
	v15 =	vand.u32 $0x3, v15  }
0x31: {  	[tilespmem:$0x10] =	vst v10;
	v10 =	vand.u32 $0xFFFFE000, v57;
	v16 =	vor.u32 v18, v16;
	v12 =	vor.u32 v13, v12  }
0x32: {  	[tilespmem:$0x20] =	vst v11;
	v11 =	vand.u32 $0x1FFC, v58;
	v54 =	vor.u32 v15, v16;
	v15 =	vand.u32 $0x1FFC, v55  }
0x33: {  	v14 =	vand.u32 $0x3, v14;
	[tilespmem:$0x30] =	vst v12;
	v10 =	vor.u32 v10, v11;
	v9 =	vor.u32 v56, v15  }
0x34: {  	v11 =	vand.u32 $0x3, v59;
	v12 =	vand.u32 $0x1FFC, v61;
	[tilespmem:$0x40] =	vst v54;
	v9 =	vor.u32 v14, v9  }
0x35: {  	[tilespmem:$0x50] =	vst v9;
	v9 =	vor.u32 v11, v10;
	v10 =	vor.u32 v62, v12;
	v11 =	vand.u32 $0x3, v63  }
0x36: {  	[tilespmem:$0x60] =	vst v9;
	v9 =	vor.u32 v11, v10  }
0x37: {  	s0 =	simm.s32 $0x0;
	[tilespmem:$0x70] =	vst v9  }
0x38: {  	[tilespmem:s16], [sflag:$0x3] =	stream.indirect.gather [hbm4b:s6+s14], $0x20, s3, s14, $0xb8;
	[tilespmem:$0x4100] =	vst v63  }
.LBB2_2:
0x39: {  	_ =	swait.ge [sflag:s17], $0x80  }
0x3a: {  	[sflag:s17] =	ssyncset.done $0x0  }
0x3b: {  	[sflag:s17] =	ssyncadd.s32 $0xFFFFFF80  }
0x3c: {  	v9 =	vld [tilespmem:$0x80]  }
0x3d: {  	v10 =	vld [tilespmem:$0x90]  }
0x3e: {  	v11 =	vld [tilespmem:$0xA0]  }
0x3f: {  	v14 =	vld [tilespmem:$0xB0]  }
0x40: {  	s8 =	sshll.u32 s0, $0x1;
	v50 =	vld [tilespmem:$0xD0]  }
0x41: {  	s8 =	sadd.s32 s4, s8;
	v17 =	vld [tilespmem:$0xE0]  }
0x42: {  	s9 =	sshrl.u32 s8, $0x7;
	v53 =	vld [tilespmem:$0xF0]  }
0x43: {  	s13 =	smul.u32 $0x186A0, s9;
	_ =	sdelay $0x1  }
0x44: {  	v9 =	vadd.s32 s13, v9;
	v10 =	vadd.s32 s13, v10;
	v11 =	vadd.s32 s13, v11  }
0x45: {  	v49 =	vadd.s32 s13, v14;
	v14 =	vadd.s32 s13, v50;
	v57 =	vadd.s32 s13, v17  }
0x46: {  	v60 =	vadd.s32 s13, v53;
	v12 =	vand.u32 $0xFFFFE000, v9;
	v13 =	vshll.u32 v9, $0x2  }
0x47: {  	v9 =	vshrl.u32 v9, $0xB;
	v45 =	vshll.u32 v10, $0x2;
	v15 =	vand.u32 $0xFFFFE000, v10  }
0x48: {  	v10 =	vshrl.u32 v10, $0xB;
	v47 =	vshll.u32 v11, $0x2;
	v48 =	vand.u32 $0xFFFFE000, v11  }
0x49: {  	v11 =	vshrl.u32 v11, $0xB;
	v51 =	vand.u32 $0xFFFFE000, v49;
	v16 =	vshll.u32 v49, $0x2  }
0x4a: {  	v55 =	vshll.u32 v14, $0x2;
	v56 =	vand.u32 $0xFFFFE000, v14;
	v14 =	vshrl.u32 v14, $0xB  }
0x4b: {  	v46 =	vld [tilespmem:$0xC0];
	v58 =	vshll.u32 v57, $0x2;
	v59 =	vshrl.u32 v57, $0xB;
	v61 =	vshll.u32 v60, $0x2  }
0x4c: {  	v62 =	vand.u32 $0xFFFFE000, v60;
	v63 =	vshrl.u32 v60, $0xB;
	v13 =	vand.u32 $0x1FFC, v13  }
0x4d: {  	v9 =	vand.u32 $0x3, v9;
	v10 =	vand.u32 $0x3, v10;
	v11 =	vand.u32 $0x3, v11  }
0x4e: {  	v16 =	vand.u32 $0x1FFC, v16;
	v12 =	vor.u32 v12, v13;
	v13 =	vand.u32 $0x1FFC, v45  }
0x4f: {  	v13 =	vor.u32 v15, v13;
	v9 =	vor.u32 v9, v12;
	v12 =	vand.u32 $0x1FFC, v47  }
0x50: {  	v15 =	vadd.s32 s13, v46;
	v10 =	vor.u32 v10, v13;
	v12 =	vor.u32 v48, v12  }
0x51: {  	v13 =	vshrl.u32 v49, $0xB;
	v52 =	vshll.u32 v15, $0x2;
	v18 =	vand.u32 $0xFFFFE000, v15  }
0x52: {  	v15 =	vshrl.u32 v15, $0xB;
	v11 =	vor.u32 v11, v12;
	v12 =	vor.u32 v51, v16  }
0x53: {  	[tilespmem:$0x80] =	vst v9;
	v13 =	vand.u32 $0x3, v13;
	v16 =	vand.u32 $0x1FFC, v52;
	v15 =	vand.u32 $0x3, v15  }
0x54: {  	[tilespmem:$0x90] =	vst v10;
	v10 =	vand.u32 $0xFFFFE000, v57;
	v16 =	vor.u32 v18, v16;
	v12 =	vor.u32 v13, v12  }
0x55: {  	[tilespmem:$0xA0] =	vst v11;
	v11 =	vand.u32 $0x1FFC, v58;
	v54 =	vor.u32 v15, v16;
	v15 =	vand.u32 $0x1FFC, v55  }
0x56: {  	v14 =	vand.u32 $0x3, v14;
	[tilespmem:$0xB0] =	vst v12;
	v10 =	vor.u32 v10, v11;
	v9 =	vor.u32 v56, v15  }
0x57: {  	v11 =	vand.u32 $0x3, v59;
	v12 =	vand.u32 $0x1FFC, v61;
	[tilespmem:$0xC0] =	vst v54;
	v9 =	vor.u32 v14, v9  }
0x58: {  	[tilespmem:$0xD0] =	vst v9;
	v9 =	vor.u32 v11, v10;
	v10 =	vor.u32 v62, v12;
	v11 =	vand.u32 $0x3, v63  }
0x59: {  	s30 =	sadd.s32 $0x2, s8;
	[tilespmem:$0xE0] =	vst v9;
	v9 =	vor.u32 v11, v10  }
0x5a: {  	p0 =	sgt.u32 s30, s7;
	[tilespmem:$0xF0] =	vst v9  }
0x5b: {  	[tilespmem:s18], [sflag:$0x4] =	stream.indirect.gather [hbm4b:s6+s14], $0x20, s14, s14, $0xb8;
	[tilespmem:$0x4100] =	vst v63  }
0x5c: {  	s13 =	sshll.u32 @!p0 s30, $0x4;
	_ =	swait.ge [sflag:s19], $0x1000  }
0x5d: {  	s13 =	sand.u32 @!p0 $0xFFFFFE0, s13;
	[sflag:s19] =	ssyncset.done $0x0  }
0x5e: {  	s31 =	simm.s32 @!p0 $0x0;
	s13 =	sadd.s32 @!p0 s5, s13;
	[sflag:s19] =	ssyncadd.s32 $0xFFFFF000  }
0x5f: {  	[tilespmem:s31], [sflag:$0x1] =	stream.linear.gather @!p0 [hbm4b:s13+s31], $0x80, $0x38;
	[tilespmem:$0x4100] =	vst v63  }
0x60: {  	p0 =	seq.s32 s0, $0x0  }
0x61: {  	s13 =	simm.s32 @!p0 $0x5  }
0x62: {  	_ =	swait.ge @!p0 [sflag:s13], $0x400  }
0x63: {  	[sflag:s13] =	ssyncset.done @!p0 $0x0  }
0x64: {  	s31 =	simm.s32 $0x0;
	[sflag:s13] =	ssyncadd.s32 @!p0 $0xFFFFFC00  }
0x65: {  	v9 =	vmov s31;
	_ =	swait.ge @!p0 [sflag:s13], $0x400  }
0x66: {  	v9 =	vand.u32 $0x1F, v9;
	[sflag:s13] =	ssyncset.done @!p0 $0x0  }
0x67: {  	v9 =	vbroadcast v9, $0x0;
	[sflag:s13] =	ssyncadd.s32 @!p0 $0xFFFFFC00  }
0x68: {  	_ =	swait.ge @!p0 [sflag:s13], $0x400  }
0x69: {  	v10 =	vor.u32 v0, v9;
	[sflag:s13] =	ssyncset.done @!p0 $0x0  }
0x6a: {  	[sflag:s13] =	ssyncadd.s32 @!p0 $0xFFFFFC00  }
0x6b: {  	_ =	swait.ge @!p0 [sflag:s13], $0x400  }
0x6c: {  	[sflag:s13] =	ssyncset.done @!p0 $0x0  }
0x6d: {  	[sflag:s13] =	ssyncadd.s32 @!p0 $0xFFFFFC00  }
0x6e: {  	v10 =	vld.idx.msk [tilespmem:v10+s16+$0x0], $0xffff  }
0x6f: {  	v11 =	vor.u32 v2, v9;
	_ =	sdelay $0x2  }
0x70: {  	s13 =	simm.s32 $0x2140  }
0x71: {  	[tilespmem:s13+$0xFFFFFFC0] =	vst v10  }
0x72: {  	v10 =	vld.idx.msk [tilespmem:v11+s16+$0x0], $0xffff  }
0x73: {  	v11 =	vor.u32 v3, v9;
	_ =	sdelay $0x3  }
0x74: {  	[tilespmem:s13+$0xFFFFFFD0] =	vst v10  }
0x75: {  	v10 =	vld.idx.msk [tilespmem:v11+s16+$0x0], $0xffff  }
0x76: {  	v11 =	vor.u32 v4, v9;
	_ =	sdelay $0x3  }
0x77: {  	[tilespmem:s13+$0xFFFFFFE0] =	vst v10  }
0x78: {  	v10 =	vld.idx.msk [tilespmem:v11+s16+$0x0], $0xffff  }
0x79: {  	v11 =	vor.u32 v5, v9;
	_ =	sdelay $0x3  }
0x7a: {  	[tilespmem:s13+$0xFFFFFFF0] =	vst v10  }
0x7b: {  	v10 =	vld.idx.msk [tilespmem:v11+s16+$0x0], $0xffff  }
0x7c: {  	v11 =	vor.u32 v6, v9;
	_ =	sdelay $0x3  }
0x7d: {  	[tilespmem:s13+$0x0] =	vst v10  }
0x7e: {  	v10 =	vld.idx.msk [tilespmem:v11+s16+$0x0], $0xffff  }
0x7f: {  	v11 =	vor.u32 v7, v9;
	_ =	sdelay $0x3  }
0x80: {  	[tilespmem:s13+$0x10] =	vst v10  }
0x81: {  	v10 =	vld.idx.msk [tilespmem:v11+s16+$0x0], $0xffff  }
0x82: {  	v9 =	vor.u32 v8, v9;
	_ =	sdelay $0x1  }
0x83: {  	s31 =	simm.s32 $0x1  }
0x84: {  	v11 =	vmov s31;
	s31 =	simm.s32 $0x2  }
.LBB2_3:
0x85: {  	p1 =	sne.s32 s31, $0x1F;
	v11 =	vand.u32 $0x1F, v11;
	[tilespmem:s13+$0x20] =	vst v10  }
0x86: {  	v11 =	vbroadcast v11, $0x0;
	v9 =	vld.idx.msk [tilespmem:v9+s16+$0x0], $0xffff;
	_ =	sdelay $0x1  }
0x87: {  	v10 =	vor.u32 v0, v11;
	_ =	sdelay $0x3  }
0x88: {  	[tilespmem:s13+$0x30] =	vst v9  }
0x89: {  	v9 =	vld.idx.msk [tilespmem:v10+s16+$0x0], $0xffff;
	_ =	sdelay $0x1  }
0x8a: {  	v10 =	vor.u32 v2, v11;
	_ =	sdelay $0x2  }
0x8b: {  	s13 =	sadd.s32 $0x80, s13  }
0x8c: {  	[tilespmem:s13+$0xFFFFFFC0] =	vst v9  }
0x8d: {  	v9 =	vld.idx.msk [tilespmem:v10+s16+$0x0], $0xffff;
	_ =	sdelay $0x1  }
0x8e: {  	v10 =	vor.u32 v3, v11;
	_ =	sdelay $0x3  }
0x8f: {  	[tilespmem:s13+$0xFFFFFFD0] =	vst v9  }
0x90: {  	v9 =	vld.idx.msk [tilespmem:v10+s16+$0x0], $0xffff;
	_ =	sdelay $0x1  }
0x91: {  	v10 =	vor.u32 v4, v11;
	_ =	sdelay $0x3  }
0x92: {  	[tilespmem:s13+$0xFFFFFFE0] =	vst v9  }
0x93: {  	v9 =	vld.idx.msk [tilespmem:v10+s16+$0x0], $0xffff;
	_ =	sdelay $0x1  }
0x94: {  	v10 =	vor.u32 v5, v11;
	_ =	sdelay $0x3  }
0x95: {  	[tilespmem:s13+$0xFFFFFFF0] =	vst v9  }
0x96: {  	v9 =	vld.idx.msk [tilespmem:v10+s16+$0x0], $0xffff;
	_ =	sdelay $0x1  }
0x97: {  	v10 =	vor.u32 v6, v11;
	_ =	sdelay $0x3  }
0x98: {  	[tilespmem:s13+$0x0] =	vst v9  }
0x99: {  	v9 =	vld.idx.msk [tilespmem:v10+s16+$0x0], $0xffff;
	_ =	sdelay $0x1  }
0x9a: {  	v10 =	vor.u32 v7, v11;
	_ =	sdelay $0x3  }
0x9b: {  	[tilespmem:s13+$0x10] =	vst v9  }
0x9c: {  	v10 =	vld.idx.msk [tilespmem:v10+s16+$0x0], $0xffff  }
.Ltmp0:
0x9d: {  	(pc) =	sbr.rel @p1 .LBB2_3-.Ltmp0, $2  }
0x9e: {  	v9 =	vor.u32 v8, v11;
	_ =	sdelay $0x2  }
0x9f: {  	v11 =	vmov s31;
	s31 =	sadd.s32 $0x1, s31  }
0xa0: {  	_ =	sdelay $0x1  }
0xa1: {  	v11 =	vand.u32 $0x1F, v11  }
0xa2: {  	[tilespmem:s13+$0x20] =	vst v10;
	v10 =	vbroadcast v11, $0x0  }
0xa3: {  	v9 =	vld.idx.msk [tilespmem:v9+s16+$0x0], $0xffff  }
0xa4: {  	v11 =	vor.u32 v0, v10;
	_ =	sdelay $0x3  }
0xa5: {  	[tilespmem:s13+$0x30] =	vst v9  }
0xa6: {  	v9 =	vld.idx.msk [tilespmem:v11+s16+$0x0], $0xffff  }
0xa7: {  	v11 =	vor.u32 v2, v10;
	_ =	sdelay $0x2  }
0xa8: {  	s13 =	sadd.s32 $0x80, s13  }
0xa9: {  	[tilespmem:s13+$0xFFFFFFC0] =	vst v9  }
0xaa: {  	v9 =	vld.idx.msk [tilespmem:v11+s16+$0x0], $0xffff  }
0xab: {  	v11 =	vor.u32 v3, v10;
	_ =	sdelay $0x3  }
0xac: {  	[tilespmem:s13+$0xFFFFFFD0] =	vst v9  }
0xad: {  	v9 =	vld.idx.msk [tilespmem:v11+s16+$0x0], $0xffff  }
0xae: {  	v11 =	vor.u32 v4, v10;
	_ =	sdelay $0x3  }
0xaf: {  	[tilespmem:s13+$0xFFFFFFE0] =	vst v9  }
0xb0: {  	v9 =	vld.idx.msk [tilespmem:v11+s16+$0x0], $0xffff  }
0xb1: {  	v11 =	vor.u32 v5, v10;
	_ =	sdelay $0x3  }
0xb2: {  	[tilespmem:s13+$0xFFFFFFF0] =	vst v9  }
0xb3: {  	v9 =	vld.idx.msk [tilespmem:v11+s16+$0x0], $0xffff  }
0xb4: {  	v11 =	vor.u32 v6, v10;
	_ =	sdelay $0x3  }
0xb5: {  	[tilespmem:s13+$0x0] =	vst v9  }
0xb6: {  	v9 =	vld.idx.msk [tilespmem:v11+s16+$0x0], $0xffff  }
0xb7: {  	v11 =	vor.u32 v7, v10;
	_ =	sdelay $0x3  }
0xb8: {  	[tilespmem:s13+$0x10] =	vst v9  }
0xb9: {  	v9 =	vld.idx.msk [tilespmem:v11+s16+$0x0], $0xffff  }
0xba: {  	v10 =	vor.u32 v8, v10;
	_ =	sdelay $0x3  }
0xbb: {  	[tilespmem:s13+$0x20] =	vst v9  }
0xbc: {  	v9 =	vld.idx.msk [tilespmem:v10+s16+$0x0], $0xffff;
	_ =	sdelay $0x1  }
0xbd: {  	s31 =	sshll.u32 s8, $0x7  }
0xbe: {  	s9 =	sshll.u32 s9, $0x10;
	s31 =	sand.u32 $0x3F00, s31  }
0xbf: {  	s31 =	sor.u32 s31, s9  }
0xc0: {  	[tilespmem:s13+$0x30] =	vst v9;
	s13 =	sadd.s32 s2, s31  }
0xc1: {  	[hbm4b:s13+s3] =	stream.linear.scatter [tilespmem:s20], [sflag:$0x5], $0x400, $0x38;
	[tilespmem:$0x4100] =	vst v63  }
0xc2: {  	s13 =	sadd.s32 s31, s10  }
0xc3: {  	[hbm4b:s13+s3] =	stream.linear.scatter [tilespmem:s21], [sflag:$0x5], $0x400, $0x38;
	[tilespmem:$0x4100] =	vst v63  }
0xc4: {  	s13 =	sadd.s32 s31, s11  }
0xc5: {  	[hbm4b:s13+s3] =	stream.linear.scatter [tilespmem:s22], [sflag:$0x5], $0x400, $0x38;
	[tilespmem:$0x4100] =	vst v63  }
0xc6: {  	s13 =	sor.u32 $0x1, s8  }
0xc7: {  	p1 =	sge.u32 s13, s7  }
.Ltmp1:
0xc8: {  	_ = 	snop;
	(pc) =	sbr.rel @p1 .LBB2_6-.Ltmp1, $3  }
0xc9: {  	_ =	sdelay $0x1  }
0xca: {  	s31 =	sadd.s32 s31, s12  }
0xcb: {  	[hbm4b:s31+s3] =	stream.linear.scatter [tilespmem:s23], [sflag:$0x5], $0x400, $0x38;
	[tilespmem:$0x4100] =	vst v63  }
0xcc: {  	_ =	swait.ge [sflag:s15], $0x80  }
0xcd: {  	[sflag:s15] =	ssyncset.done $0x0  }
0xce: {  	[sflag:s15] =	ssyncadd.s32 $0xFFFFFF80  }
0xcf: {  	v9 =	vld [tilespmem:$0x0]  }
0xd0: {  	v10 =	vld [tilespmem:$0x10]  }
0xd1: {  	v11 =	vld [tilespmem:$0x20]  }
0xd2: {  	v14 =	vld [tilespmem:$0x30]  }
0xd3: {  	v50 =	vld [tilespmem:$0x50]  }
0xd4: {  	v17 =	vld [tilespmem:$0x60]  }
0xd5: {  	s30 =	sshrl.u32 s30, $0x7;
	v53 =	vld [tilespmem:$0x70]  }
0xd6: {  	s30 =	smul.u32 $0x186A0, s30;
	_ =	sdelay $0x1  }
0xd7: {  	v9 =	vadd.s32 s30, v9;
	v10 =	vadd.s32 s30, v10;
	v11 =	vadd.s32 s30, v11  }
0xd8: {  	v49 =	vadd.s32 s30, v14;
	v14 =	vadd.s32 s30, v50;
	v57 =	vadd.s32 s30, v17  }
0xd9: {  	v60 =	vadd.s32 s30, v53;
	v12 =	vand.u32 $0xFFFFE000, v9;
	v13 =	vshll.u32 v9, $0x2  }
0xda: {  	v9 =	vshrl.u32 v9, $0xB;
	v45 =	vshll.u32 v10, $0x2;
	v15 =	vand.u32 $0xFFFFE000, v10  }
0xdb: {  	v10 =	vshrl.u32 v10, $0xB;
	v47 =	vshll.u32 v11, $0x2;
	v48 =	vand.u32 $0xFFFFE000, v11  }
0xdc: {  	v11 =	vshrl.u32 v11, $0xB;
	v51 =	vand.u32 $0xFFFFE000, v49;
	v16 =	vshll.u32 v49, $0x2  }
0xdd: {  	v55 =	vshll.u32 v14, $0x2;
	v56 =	vand.u32 $0xFFFFE000, v14;
	v14 =	vshrl.u32 v14, $0xB  }
0xde: {  	v46 =	vld [tilespmem:$0x40];
	v58 =	vshll.u32 v57, $0x2;
	v59 =	vshrl.u32 v57, $0xB;
	v61 =	vshll.u32 v60, $0x2  }
0xdf: {  	v62 =	vand.u32 $0xFFFFE000, v60;
	v63 =	vshrl.u32 v60, $0xB;
	v13 =	vand.u32 $0x1FFC, v13  }
0xe0: {  	v9 =	vand.u32 $0x3, v9;
	v10 =	vand.u32 $0x3, v10;
	v11 =	vand.u32 $0x3, v11  }
0xe1: {  	v16 =	vand.u32 $0x1FFC, v16;
	v12 =	vor.u32 v12, v13;
	v13 =	vand.u32 $0x1FFC, v45  }
0xe2: {  	v13 =	vor.u32 v15, v13;
	v9 =	vor.u32 v9, v12;
	v12 =	vand.u32 $0x1FFC, v47  }
0xe3: {  	v15 =	vadd.s32 s30, v46;
	v10 =	vor.u32 v10, v13;
	v12 =	vor.u32 v48, v12  }
0xe4: {  	v13 =	vshrl.u32 v49, $0xB;
	v52 =	vshll.u32 v15, $0x2;
	v18 =	vand.u32 $0xFFFFE000, v15  }
0xe5: {  	v15 =	vshrl.u32 v15, $0xB;
	v11 =	vor.u32 v11, v12;
	v12 =	vor.u32 v51, v16  }
0xe6: {  	[tilespmem:$0x0] =	vst v9;
	v13 =	vand.u32 $0x3, v13;
	v16 =	vand.u32 $0x1FFC, v52;
	v15 =	vand.u32 $0x3, v15  }
0xe7: {  	[tilespmem:$0x10] =	vst v10;
	v10 =	vand.u32 $0xFFFFE000, v57;
	v16 =	vor.u32 v18, v16;
	v12 =	vor.u32 v13, v12  }
0xe8: {  	[tilespmem:$0x20] =	vst v11;
	v11 =	vand.u32 $0x1FFC, v58;
	v54 =	vor.u32 v15, v16;
	v15 =	vand.u32 $0x1FFC, v55  }
0xe9: {  	v14 =	vand.u32 $0x3, v14;
	[tilespmem:$0x30] =	vst v12;
	v10 =	vor.u32 v10, v11;
	v9 =	vor.u32 v56, v15  }
0xea: {  	v11 =	vand.u32 $0x3, v59;
	v12 =	vand.u32 $0x1FFC, v61;
	[tilespmem:$0x40] =	vst v54;
	v9 =	vor.u32 v14, v9  }
0xeb: {  	[tilespmem:$0x50] =	vst v9;
	v9 =	vor.u32 v11, v10;
	v10 =	vor.u32 v62, v12;
	v11 =	vand.u32 $0x3, v63  }
0xec: {  	[tilespmem:$0x60] =	vst v9;
	v9 =	vor.u32 v11, v10  }
0xed: {  	[tilespmem:$0x70] =	vst v9  }
0xee: {  	[tilespmem:s16], [sflag:$0x3] =	stream.indirect.gather [hbm4b:s6+s14], $0x20, s3, s14, $0xb8;
	[tilespmem:$0x4100] =	vst v63  }
.LBB2_6:
0xef: {  	s8 =	sadd.s32 $0x3, s8  }
0xf0: {  	_ =	swait.ge [sflag:s24], $0x1000;
	p1 =	sgt.u32 s8, s7  }
0xf1: {  	[sflag:s24] =	ssyncset.done $0x0;
	s8 =	sshll.u32 @!p1 s8, $0x4  }
0xf2: {  	[sflag:s24] =	ssyncadd.s32 $0xFFFFF000;
	s8 =	sand.u32 @!p1 $0xFFFFFF0, s8  }
0xf3: {  	s30 =	simm.s32 @!p1 $0x0;
	s31 =	simm.s32 @!p1 $0x80;
	s8 =	sadd.s32 @!p1 s5, s8  }
0xf4: {  	[tilespmem:s31], [sflag:$0x2] =	stream.linear.gather @!p1 [hbm4b:s8+s30], $0x80, $0x38;
	[tilespmem:$0x4100] =	vst v63  }
0xf5: {  	s8 =	simm.s32 @!p0 $0x6  }
0xf6: {  	_ =	swait.ge @!p0 [sflag:s8], $0x400  }
0xf7: {  	[sflag:s8] =	ssyncset.done @!p0 $0x0  }
0xf8: {  	s30 =	simm.s32 $0x0;
	[sflag:s8] =	ssyncadd.s32 @!p0 $0xFFFFFC00  }
0xf9: {  	v9 =	vmov s30;
	_ =	swait.ge @!p0 [sflag:s8], $0x400  }
0xfa: {  	v9 =	vand.u32 $0x1F, v9;
	[sflag:s8] =	ssyncset.done @!p0 $0x0  }
0xfb: {  	v9 =	vbroadcast v9, $0x0;
	[sflag:s8] =	ssyncadd.s32 @!p0 $0xFFFFFC00  }
0xfc: {  	_ =	swait.ge @!p0 [sflag:s8], $0x400  }
0xfd: {  	v10 =	vor.u32 v0, v9;
	[sflag:s8] =	ssyncset.done @!p0 $0x0  }
0xfe: {  	[sflag:s8] =	ssyncadd.s32 @!p0 $0xFFFFFC00  }
0xff: {  	_ =	swait.ge @!p0 [sflag:s8], $0x400  }
0x100: {  	[sflag:s8] =	ssyncset.done @!p0 $0x0  }
0x101: {  	[sflag:s8] =	ssyncadd.s32 @!p0 $0xFFFFFC00  }
0x102: {  	v10 =	vld.idx.msk [tilespmem:v10+s18+$0x0], $0xffff  }
0x103: {  	v11 =	vor.u32 v2, v9;
	_ =	sdelay $0x2  }
0x104: {  	s8 =	simm.s32 $0x3140  }
0x105: {  	[tilespmem:s8+$0xFFFFFFC0] =	vst v10  }
0x106: {  	v10 =	vld.idx.msk [tilespmem:v11+s18+$0x0], $0xffff  }
0x107: {  	v11 =	vor.u32 v3, v9;
	_ =	sdelay $0x3  }
0x108: {  	[tilespmem:s8+$0xFFFFFFD0] =	vst v10  }
0x109: {  	v10 =	vld.idx.msk [tilespmem:v11+s18+$0x0], $0xffff  }
0x10a: {  	v11 =	vor.u32 v4, v9;
	_ =	sdelay $0x3  }
0x10b: {  	[tilespmem:s8+$0xFFFFFFE0] =	vst v10  }
0x10c: {  	v10 =	vld.idx.msk [tilespmem:v11+s18+$0x0], $0xffff  }
0x10d: {  	v11 =	vor.u32 v5, v9;
	_ =	sdelay $0x3  }
0x10e: {  	[tilespmem:s8+$0xFFFFFFF0] =	vst v10  }
0x10f: {  	v10 =	vld.idx.msk [tilespmem:v11+s18+$0x0], $0xffff  }
0x110: {  	v11 =	vor.u32 v6, v9;
	_ =	sdelay $0x3  }
0x111: {  	[tilespmem:s8+$0x0] =	vst v10  }
0x112: {  	v10 =	vld.idx.msk [tilespmem:v11+s18+$0x0], $0xffff  }
0x113: {  	v11 =	vor.u32 v7, v9;
	_ =	sdelay $0x3  }
0x114: {  	[tilespmem:s8+$0x10] =	vst v10  }
0x115: {  	v10 =	vld.idx.msk [tilespmem:v11+s18+$0x0], $0xffff  }
0x116: {  	v9 =	vor.u32 v8, v9;
	_ =	sdelay $0x1  }
0x117: {  	s30 =	simm.s32 $0x1  }
0x118: {  	v11 =	vmov s30;
	s30 =	simm.s32 $0x2  }
.LBB2_7:
0x119: {  	p0 =	sne.s32 s30, $0x1F;
	v11 =	vand.u32 $0x1F, v11;
	[tilespmem:s8+$0x20] =	vst v10  }
0x11a: {  	v11 =	vbroadcast v11, $0x0;
	v9 =	vld.idx.msk [tilespmem:v9+s18+$0x0], $0xffff;
	_ =	sdelay $0x1  }
0x11b: {  	v10 =	vor.u32 v0, v11;
	_ =	sdelay $0x3  }
0x11c: {  	[tilespmem:s8+$0x30] =	vst v9  }
0x11d: {  	v9 =	vld.idx.msk [tilespmem:v10+s18+$0x0], $0xffff;
	_ =	sdelay $0x1  }
0x11e: {  	v10 =	vor.u32 v2, v11;
	_ =	sdelay $0x2  }
0x11f: {  	s8 =	sadd.s32 $0x80, s8  }
0x120: {  	[tilespmem:s8+$0xFFFFFFC0] =	vst v9  }
0x121: {  	v9 =	vld.idx.msk [tilespmem:v10+s18+$0x0], $0xffff;
	_ =	sdelay $0x1  }
0x122: {  	v10 =	vor.u32 v3, v11;
	_ =	sdelay $0x3  }
0x123: {  	[tilespmem:s8+$0xFFFFFFD0] =	vst v9  }
0x124: {  	v9 =	vld.idx.msk [tilespmem:v10+s18+$0x0], $0xffff;
	_ =	sdelay $0x1  }
0x125: {  	v10 =	vor.u32 v4, v11;
	_ =	sdelay $0x3  }
0x126: {  	[tilespmem:s8+$0xFFFFFFE0] =	vst v9  }
0x127: {  	v9 =	vld.idx.msk [tilespmem:v10+s18+$0x0], $0xffff;
	_ =	sdelay $0x1  }
0x128: {  	v10 =	vor.u32 v5, v11;
	_ =	sdelay $0x3  }
0x129: {  	[tilespmem:s8+$0xFFFFFFF0] =	vst v9  }
0x12a: {  	v9 =	vld.idx.msk [tilespmem:v10+s18+$0x0], $0xffff;
	_ =	sdelay $0x1  }
0x12b: {  	v10 =	vor.u32 v6, v11;
	_ =	sdelay $0x3  }
0x12c: {  	[tilespmem:s8+$0x0] =	vst v9  }
0x12d: {  	v9 =	vld.idx.msk [tilespmem:v10+s18+$0x0], $0xffff;
	_ =	sdelay $0x1  }
0x12e: {  	v10 =	vor.u32 v7, v11;
	_ =	sdelay $0x3  }
0x12f: {  	[tilespmem:s8+$0x10] =	vst v9  }
0x130: {  	v10 =	vld.idx.msk [tilespmem:v10+s18+$0x0], $0xffff  }
.Ltmp2:
0x131: {  	(pc) =	sbr.rel @p0 .LBB2_7-.Ltmp2, $2  }
0x132: {  	v9 =	vor.u32 v8, v11;
	_ =	sdelay $0x2  }
0x133: {  	v11 =	vmov s30;
	s30 =	sadd.s32 $0x1, s30  }
0x134: {  	_ =	sdelay $0x1  }
0x135: {  	v11 =	vand.u32 $0x1F, v11  }
0x136: {  	[tilespmem:s8+$0x20] =	vst v10;
	v10 =	vbroadcast v11, $0x0  }
0x137: {  	v9 =	vld.idx.msk [tilespmem:v9+s18+$0x0], $0xffff  }
0x138: {  	v11 =	vor.u32 v0, v10;
	_ =	sdelay $0x3  }
0x139: {  	[tilespmem:s8+$0x30] =	vst v9  }
0x13a: {  	v9 =	vld.idx.msk [tilespmem:v11+s18+$0x0], $0xffff  }
0x13b: {  	v11 =	vor.u32 v2, v10;
	_ =	sdelay $0x2  }
0x13c: {  	s30 =	sadd.s32 $0x80, s8  }
0x13d: {  	[tilespmem:s30+$0xFFFFFFC0] =	vst v9  }
0x13e: {  	v9 =	vld.idx.msk [tilespmem:v11+s18+$0x0], $0xffff  }
0x13f: {  	v11 =	vor.u32 v3, v10;
	_ =	sdelay $0x3  }
0x140: {  	[tilespmem:s30+$0xFFFFFFD0] =	vst v9  }
0x141: {  	v9 =	vld.idx.msk [tilespmem:v11+s18+$0x0], $0xffff  }
0x142: {  	v11 =	vor.u32 v4, v10;
	_ =	sdelay $0x3  }
0x143: {  	[tilespmem:s30+$0xFFFFFFE0] =	vst v9  }
0x144: {  	v9 =	vld.idx.msk [tilespmem:v11+s18+$0x0], $0xffff  }
0x145: {  	v11 =	vor.u32 v5, v10;
	_ =	sdelay $0x3  }
0x146: {  	[tilespmem:s30+$0xFFFFFFF0] =	vst v9  }
0x147: {  	v9 =	vld.idx.msk [tilespmem:v11+s18+$0x0], $0xffff  }
0x148: {  	v11 =	vor.u32 v6, v10;
	_ =	sdelay $0x3  }
0x149: {  	[tilespmem:s30+$0x0] =	vst v9  }
0x14a: {  	v9 =	vld.idx.msk [tilespmem:v11+s18+$0x0], $0xffff  }
0x14b: {  	v11 =	vor.u32 v7, v10;
	_ =	sdelay $0x3  }
0x14c: {  	[tilespmem:s30+$0x10] =	vst v9  }
0x14d: {  	v9 =	vld.idx.msk [tilespmem:v11+s18+$0x0], $0xffff  }
0x14e: {  	v10 =	vor.u32 v8, v10;
	_ =	sdelay $0x3  }
0x14f: {  	[tilespmem:s30+$0x20] =	vst v9  }
0x150: {  	v9 =	vld.idx.msk [tilespmem:v10+s18+$0x0], $0xffff;
	_ =	sdelay $0x1  }
0x151: {  	s13 =	sshll.u32 s13, $0x7  }
0x152: {  	s13 =	sand.u32 $0x3F80, s13  }
0x153: {  	s9 =	sor.u32 s9, s13  }
0x154: {  	s0 =	sadd.s32 $0x1, s0;
	s31 =	sadd.s32 s2, s9;
	[tilespmem:s30+$0x30] =	vst v9  }
0x155: {  	[hbm4b:s31+s3] =	stream.linear.scatter [tilespmem:s25], [sflag:$0x6], $0x400, $0x38;
	[tilespmem:$0x4100] =	vst v63  }
0x156: {  	p0 =	sne.s32 s0, $0x34;
	s13 =	sadd.s32 s9, s10  }
0x157: {  	[hbm4b:s13+s3] =	stream.linear.scatter [tilespmem:s26], [sflag:$0x6], $0x400, $0x38;
	[tilespmem:$0x4100] =	vst v63  }
.Ltmp3:
0x158: {  	_ = 	snop;
	(pc) =	sbr.rel @p0 .LBB2_2-.Ltmp3, $4  }
0x159: {  	s30 =	sadd.s32 s9, s11  }
0x15a: {  	[hbm4b:s30+s3] =	stream.linear.scatter [tilespmem:s28], [sflag:$0x6], $0x400, $0x38;
	[tilespmem:$0x4100] =	vst v63  }
0x15b: {  	s31 =	sadd.s32 s9, s12  }
0x15c: {  	[hbm4b:s31+s3] =	stream.linear.scatter [tilespmem:s29], [sflag:$0x6], $0x400, $0x38;
	[tilespmem:$0x4100] =	vst v63  }
0x15d: {  	s0 =	simm.s32 $0x5  }
0x15e: {  	_ =	swait.ge [sflag:s0], $0x400  }
0x15f: {  	[sflag:s0] =	ssyncset.done $0x0  }
0x160: {  	[sflag:s0] =	ssyncadd.s32 $0xFFFFFC00  }
0x161: {  	_ =	swait.ge [sflag:s0], $0x400  }
0x162: {  	[sflag:s0] =	ssyncset.done $0x0  }
0x163: {  	[sflag:s0] =	ssyncadd.s32 $0xFFFFFC00  }
0x164: {  	_ =	swait.ge [sflag:s0], $0x400  }
0x165: {  	[sflag:s0] =	ssyncset.done $0x0  }
0x166: {  	[sflag:s0] =	ssyncadd.s32 $0xFFFFFC00  }
0x167: {  	_ =	swait.ge [sflag:s0], $0x400  }
0x168: {  	[sflag:s0] =	ssyncset.done $0x0  }
0x169: {  	s8 =	simm.s32 $0x6;
	[sflag:s0] =	ssyncadd.s32 $0xFFFFFC00  }
0x16a: {  	_ =	swait.ge [sflag:s8], $0x400  }
0x16b: {  	[sflag:s8] =	ssyncset.done $0x0  }
0x16c: {  	[sflag:s8] =	ssyncadd.s32 $0xFFFFFC00  }
0x16d: {  	_ =	swait.ge [sflag:s8], $0x400  }
0x16e: {  	[sflag:s8] =	ssyncset.done $0x0  }
0x16f: {  	[sflag:s8] =	ssyncadd.s32 $0xFFFFFC00  }
0x170: {  	_ =	swait.ge [sflag:s8], $0x400  }
0x171: {  	[sflag:s8] =	ssyncset.done $0x0  }
0x172: {  	[sflag:s8] =	ssyncadd.s32 $0xFFFFFC00  }
0x173: {  	_ =	swait.ge [sflag:s8], $0x400  }
0x174: {  	s1 =	sadd.s32 $0x1, s1;
	s31 =	rddreg [dreg:$0x5]  }
0x175: {  	p0 =	sne.s32 s1, s31  }
.Ltmp4:
0x176: {  	_ = 	snop;
	(pc) =	sbr.rel @p0 .LBB2_1-.Ltmp4, $3  }
0x177: {  	_ =	sdelay $0x1  }
0x178: {  	[sflag:s8] =	ssyncset.done $0x0  }
0x179: {  	[sflag:s8] =	ssyncadd.s32 $0xFFFFFC00  }
0x17a: {  	_ =	sfence.sel $0x180000  }
0x17b: {  	[bflag:$0x0] =	sbarrier.arrive $0xFFFF  }
0x17c: {  	_ =	strace $0x90000047  }
0x17d: {  	s0 =	stileid.u32;
	[bflag:$0x2] =	sbarrier.arrive $0xFFFF  }
0x17e: {  	p0 =	sne.s32 s0, $0x0;
	s0 =	rddreg [dreg:$0x2]  }
0x17f: {  	s0 =	sadd.s32 @!p0 $0x100000, s0  }
0x180: {  	[sflag:s0] =	ssyncadd.tile.s32 @!p0 $0x1;
	_ =	shalt  }
.Lfunc_end2:
_tile_overlayer_lowered:
.L_overlay_start_2:
0x181: {  	(tag) =	ssettag $0x2  }
0x182: {  	s0 =	rddreg [dreg:$0x0];
	s2 =	stileid.u32  }
0x183: {  	s1 =	rddreg [dreg:$0x1];
	p0 =	sne.s32 s2, $0x0  }
0x184: {  	s3 =	rddreg [dreg:$0x2];
	[bflag:$0x3] =	sbarrier.arrive $0xFFFF;
	s2 =	simm.s32 @!p0 $0x1C07  }
0x185: {  	[timem:s3], [sflag:s2] =	dma.local @!p0 [hbm:s0], s1  }
0x186: {  	s0 =	simm.s32 @!p0 $0x7  }
0x187: {  	_ =	swait.ge @!p0 [sflag:s0], s1  }
0x188: {  	s1 =	ssub.s32 @!p0 $0x0, s1;
	[sflag:s0] =	ssyncset.done @!p0 $0x0  }
0x189: {  	[sflag:s0] =	ssyncadd.s32 @!p0 s1  }
0x18a: {  	[bflag:$0x3] =	sbarrier.arrive $0xFFFF  }
0x18b: {  	_ =	shalt  }

</sc_bundles>
